<compile_context>
chip_gen: v7x
topology: tpu7x:2x2x1
jax: 0.10.2.dev20260603
libtpu: 0.0.44.dev20260713+nightly
codegen_flags: <defaults>
</compile_context>

<pallas_src>
import jax
import jax.numpy as jnp
from jax import lax
from jax.experimental import pallas as pl
from jax.experimental.pallas import tpu as pltpu
from jax.experimental.pallas import tpu_sc as plsc

NC = 2
NS = 16
NW = NC * NS
L = 16
CHUNK = 128


def _matmul_body(x_ref, wd_ref, w2_ref, y1_ref, y2_ref):
    x = x_ref[...]
    dn = (((0,), (0,)), ((), ()))
    y1_ref[...] = lax.dot_general(x, wd_ref[...], dn,
                                  preferred_element_type=jnp.float32)
    y2_ref[...] = lax.dot_general(x, w2_ref[...], dn,
                                  preferred_element_type=jnp.float32)


def _stage1(X, Wd_t, W2_t):
    C, N = X.shape
    O = Wd_t.shape[1]
    return pl.pallas_call(
        _matmul_body,
        out_shape=[
            jax.ShapeDtypeStruct((N, O), jnp.float32),
            jax.ShapeDtypeStruct((N, O), jnp.float32),
        ],
    )(X, Wd_t, W2_t)


def _make_sc_kernel(N, O, E):
    assert E % CHUNK == 0
    tot_chunks = E // CHUNK
    base_chunks = tot_chunks // NW
    extra = tot_chunks % NW
    row_grps = N // CHUNK
    row_tail = N - row_grps * CHUNK
    assert row_tail % 8 == 0

    mesh = plsc.VectorSubcoreMesh(core_axis_name="c", subcore_axis_name="s")

    assert base_chunks % 2 == 0

    def body(y2_hbm, ridx_hbm, gidx_hbm, z128_hbm, zhist_hbm,
             s_out, cnt_out,
             s_sh, idxg0, idxg1, idxr0, idxr1, scx0, scx1, rows0, rows1,
             hist_v, sem0, sem1, semi0, semi1, semsc0, semsc1):
        cid = lax.axis_index("c")
        sid = lax.axis_index("s")
        wid = sid * NC + cid
        idxg = (idxg0, idxg1)
        idxr = (idxr0, idxr1)
        scx = (scx0, scx1)
        rows = (rows0, rows1)
        sems = (sem0, sem1)
        semi = (semi0, semi1)
        semsc = (semsc0, semsc1)
        rows_v = rows0

        pltpu.sync_copy(z128_hbm, rows_v)
        pltpu.sync_copy(zhist_hbm, hist_v)

        def zero_grp(g, carry):
            o = (sid + g * NS) * CHUNK
            pltpu.sync_copy(rows_v, s_sh.at[pl.ds(o, CHUNK)])
            return carry

        lax.fori_loop(0, row_grps // NS, zero_grp, 0)
        rem = row_grps % NS

        @pl.when(sid < rem)
        def _zero_rem():
            o = ((row_grps // NS) * NS + sid) * CHUNK
            pltpu.sync_copy(rows_v, s_sh.at[pl.ds(o, CHUNK)])

        if row_tail:
            @pl.when(sid == NS - 1)
            def _zero_tail():
                t0 = row_grps * CHUNK
                pltpu.sync_copy(rows_v.at[pl.ds(0, row_tail)],
                                s_sh.at[pl.ds(t0, row_tail)])
        plsc.subcore_barrier()

        def load_idx(j, b):
            base = (wid * base_chunks + j) * CHUNK
            pltpu.sync_copy(gidx_hbm.at[pl.ds(base, CHUNK)], idxg[b])
            pltpu.sync_copy(ridx_hbm.at[pl.ds(base, CHUNK)], idxr[b])

        def prefetch_idx(j, b):
            base = (wid * base_chunks + j) * CHUNK
            pltpu.make_async_copy(gidx_hbm.at[pl.ds(base, CHUNK)],
                                  idxg[b], semi[b]).start()
            pltpu.make_async_copy(ridx_hbm.at[pl.ds(base, CHUNK)],
                                  idxr[b], semi[b]).start()

        def wait_idx(b):
            pltpu.make_async_copy(gidx_hbm.at[pl.ds(0, CHUNK)],
                                  idxg[b], semi[b]).wait()
            pltpu.make_async_copy(ridx_hbm.at[pl.ds(0, CHUNK)],
                                  idxr[b], semi[b]).wait()

        def start_gather(b):
            pltpu.make_async_copy(y2_hbm.at[idxg[b]], rows[b],
                                  sems[b]).start()

        def hist(b):
            for u in range(CHUNK // L):
                iv = idxr[b][pl.ds(u * L, L)]
                scx[b][pl.ds(u * L, L)] = iv

        def wait_gather(b):
            pltpu.make_async_copy(y2_hbm.at[idxg[b]], rows[b],
                                  sems[b]).wait()

        def start_scatter(b):
            pltpu.async_copy(rows[b], s_sh.at[scx[b]], semsc[b], add=True)

        def wait_scatter(b):
            pltpu.make_async_copy(rows[b], s_sh.at[scx[b]],
                                  semsc[b]).wait()

        load_idx(0, 0)
        start_gather(0)
        prefetch_idx(1, 1)

        def pair(t, first=False):
            hist(0)
            wait_idx(1)
            if not first:
                wait_scatter(1)
            start_gather(1)
            wait_gather(0)
            start_scatter(0)
            prefetch_idx(2 * t + 2, 0)
            hist(1)
            wait_scatter(0)
            wait_idx(0)
            start_gather(0)
            wait_gather(1)
            start_scatter(1)
            prefetch_idx(2 * t + 3, 1)

        pair(0, first=True)

        def pair_loop(t, carry):
            pair(t)
            return carry

        lax.fori_loop(1, base_chunks // 2, pair_loop, 0)
        wait_gather(0)
        wait_idx(1)
        wait_scatter(1)
        if extra:
            @pl.when(wid < extra)
            def _extra():
                j = NW * base_chunks + wid
                base = j * CHUNK
                pltpu.sync_copy(gidx_hbm.at[pl.ds(base, CHUNK)], idxg0)
                pltpu.sync_copy(ridx_hbm.at[pl.ds(base, CHUNK)], idxr0)
                start_gather(0)
                hist(0)
                wait_gather(0)
                start_scatter(0)
                wait_scatter(0)
        plsc.subcore_barrier()

        def pub_grp(g, carry):
            o = (sid + g * NS) * CHUNK
            pltpu.sync_copy(s_sh.at[pl.ds(o, CHUNK)], rows_v)
            pltpu.sync_copy(rows_v, s_out.at[cid, pl.ds(o, CHUNK)])
            return carry

        lax.fori_loop(0, row_grps // NS, pub_grp, 0)

        @pl.when(sid < rem)
        def _pub_rem():
            o = ((row_grps // NS) * NS + sid) * CHUNK
            pltpu.sync_copy(s_sh.at[pl.ds(o, CHUNK)], rows_v)
            pltpu.sync_copy(rows_v, s_out.at[cid, pl.ds(o, CHUNK)])

        if row_tail:
            @pl.when(sid == NS - 1)
            def _pub_tail():
                t0 = row_grps * CHUNK
                pltpu.sync_copy(s_sh.at[pl.ds(t0, row_tail)],
                                rows_v.at[pl.ds(0, row_tail)])
                pltpu.sync_copy(rows_v.at[pl.ds(0, row_tail)],
                                s_out.at[cid, pl.ds(t0, row_tail)])

        pltpu.sync_copy(hist_v, cnt_out.at[cid, sid])

    return pl.kernel(
        body,
        out_type=[
            jax.ShapeDtypeStruct((NC, N, O), jnp.float32),
            jax.ShapeDtypeStruct((NC, NS, N), jnp.float32),
        ],
        mesh=mesh,
        compiler_params=pltpu.CompilerParams(needs_layout_passes=False),
        scratch_types=[
            pltpu.VMEM_SHARED((N, O), jnp.float32),
            pltpu.VMEM((CHUNK,), jnp.int32),
            pltpu.VMEM((CHUNK,), jnp.int32),
            pltpu.VMEM((CHUNK,), jnp.int32),
            pltpu.VMEM((CHUNK,), jnp.int32),
            pltpu.VMEM((CHUNK,), jnp.int32),
            pltpu.VMEM((CHUNK,), jnp.int32),
            pltpu.VMEM((CHUNK, O), jnp.float32),
            pltpu.VMEM((CHUNK, O), jnp.float32),
            pltpu.VMEM((N,), jnp.float32),
            pltpu.SemaphoreType.DMA,
            pltpu.SemaphoreType.DMA,
            pltpu.SemaphoreType.DMA,
            pltpu.SemaphoreType.DMA,
            pltpu.SemaphoreType.DMA,
            pltpu.SemaphoreType.DMA,
        ],
    )


def _combine_body(y1_ref, s_ref, cnt_ref, b_ref, pw_ref, out_ref):
    s = s_ref[0] + s_ref[1]
    c = jnp.sum(cnt_ref[...], axis=0)[:, None]
    y = y1_ref[...] + b_ref[...]
    tot = c * y + s
    out = tot / jnp.maximum(c, 1.0)
    pw = pw_ref[0, 0]
    out = jnp.where(out >= 0, out, pw * out)
    out_ref[...] = out.T


def _stage3(Y1t, S, CNT, b2, pw2):
    N, O = Y1t.shape
    return pl.pallas_call(
        _combine_body,
        out_shape=jax.ShapeDtypeStruct((O, N), jnp.float32),
    )(Y1t, S, CNT, b2, pw2)


def kernel(in_features, reduce_index, gather_index, W, b, prelu_w):
    X = in_features[0]
    C, N = X.shape
    O = W.shape[0]
    E = reduce_index.shape[0]
    ridx = reduce_index.astype(jnp.int32)
    gidx = gather_index.astype(jnp.int32)
    W1 = W[:, :C]
    W2 = W[:, C:]
    Wd_t = (W1 - W2).T
    W2_t = W2.T

    Y1t, Y2t = _stage1(X, Wd_t, W2_t)

    z128 = jnp.zeros((CHUNK, O), jnp.float32)
    zhist = jnp.zeros((N,), jnp.float32)
    S, CNT = _make_sc_kernel(N, O, E)(Y2t, ridx, gidx, z128, zhist)

    out2d = _stage3(Y1t, S, CNT.reshape(NC * NS, N),
                    b.reshape(1, O), prelu_w.reshape(1, 1))
    return out2d[None]

# --- scband reference (transcript-rebuilt; emitter-appended) ---
"""Pipeline reference for scband-edge-conv-31516470018677 (READ-ONLY COPY).

The authoritative reference and input builder live on the scoring server;
editing this copy changes nothing except your own understanding.
"""

import jax, jax.numpy as jnp
import numpy as np

N_NODES = 10000
N_EDGES = 320000
IN_CH = 128
OUT_CH = 128

def setup_inputs(seed: int = 0) -> dict:
    key = jax.random.key(seed)
    k1, k2, k3, k4, k5 = jax.random.split(key, 5)
    in_features = jax.random.normal(k1, (1, IN_CH, N_NODES), dtype=jnp.float32)
    reduce_index = jax.random.randint(k2, (N_EDGES,), 0, N_NODES, dtype=jnp.int32).astype(jnp.int64)
    gather_index = jax.random.randint(k3, (N_EDGES,), 0, N_NODES, dtype=jnp.int32).astype(jnp.int64)
    # Conv1d(kernel_size=1) weight [out, 2*in, 1] -> squeezed to [out, 2*in]; kaiming-uniform-like scale
    fan_in = 2 * IN_CH
    bound = 1.0 / np.sqrt(fan_in)
    W = jax.random.uniform(k4, (OUT_CH, 2 * IN_CH), dtype=jnp.float32, minval=-bound, maxval=bound)
    b = jax.random.uniform(k5, (OUT_CH,), dtype=jnp.float32, minval=-bound, maxval=bound)
    prelu_w = jnp.array(0.3, dtype=jnp.float32)
    return {"in_features": in_features, "reduce_index": reduce_index, "gather_index": gather_index, "W": W, "b": b, "prelu_w": prelu_w}

def reference(in_features, reduce_index, gather_index, W, b, prelu_w):
    B, C, N = in_features.shape
    out_ch = W.shape[0]
    # gather endpoint features per edge
    vertices = in_features[:, :, reduce_index]          # [B, C, E]
    neighbors = in_features[:, :, gather_index]         # [B, C, E]
    concat_features = jnp.concatenate([vertices, neighbors - vertices], axis=1)  # [B, 2C, E]
    # 1x1 Conv1d == per-edge matmul over channels
    F_e = jnp.einsum('oc,bce->boe', W, concat_features) + b[None, :, None]       # [B, out, E]
    # index_reduce_(dim=-1, reduce='mean', include_self=False): scatter-mean over dst nodes,
    # nodes with no incoming edges keep their initial value (0)
    out_sum = jnp.zeros((B, out_ch, N), dtype=in_features.dtype).at[:, :, reduce_index].add(F_e)
    counts = jnp.zeros((N,), dtype=in_features.dtype).at[reduce_index].add(1.0)
    out = out_sum / jnp.maximum(counts, 1.0)[None, None, :]
    # PReLU with single learnable parameter (init 0.3)
    return jnp.where(out >= 0, out, prelu_w * out)

if __name__ == "__main__":
    import jax
    _d = setup_inputs()
    print(jax.jit(kernel)(*tuple(_d.values())))

</pallas_src>

<mosaic_0001>
#map = affine_map<(d0, d1) -> (0, 0)>
#map1 = affine_map<(d0, d1) -> (0)>
#map2 = affine_map<(d0, d1) -> (0, 0, 0)>
module attributes {stable_mosaic.version = 14 : i64} {
  func.func @body(%arg0: i32, %arg1: i32, %arg2: memref<10000x128xf32, #tpu.memory_space<hbm>>, %arg3: memref<320000xi32, #tpu.memory_space<hbm>>, %arg4: memref<320000xi32, #tpu.memory_space<hbm>>, %arg5: memref<128x128xf32, #tpu.memory_space<hbm>>, %arg6: memref<10000xf32, #tpu.memory_space<hbm>>, %arg7: memref<2x10000x128xf32, #tpu.memory_space<hbm>>, %arg8: memref<2x16x10000xf32, #tpu.memory_space<hbm>>, %arg9: memref<10000x128xf32, #tpu.memory_space<vmem_shared>>, %arg10: memref<128xi32, #tpu.memory_space<vmem>>, %arg11: memref<128xi32, #tpu.memory_space<vmem>>, %arg12: memref<128xi32, #tpu.memory_space<vmem>>, %arg13: memref<128xi32, #tpu.memory_space<vmem>>, %arg14: memref<128xi32, #tpu.memory_space<vmem>>, %arg15: memref<128xi32, #tpu.memory_space<vmem>>, %arg16: memref<128x128xf32, #tpu.memory_space<vmem>>, %arg17: memref<128x128xf32, #tpu.memory_space<vmem>>, %arg18: memref<10000xf32, #tpu.memory_space<vmem>>, %arg19: memref<!tpu.dma_semaphore, #tpu.memory_space<semaphore_mem>>, %arg20: memref<!tpu.dma_semaphore, #tpu.memory_space<semaphore_mem>>, %arg21: memref<!tpu.dma_semaphore, #tpu.memory_space<semaphore_mem>>, %arg22: memref<!tpu.dma_semaphore, #tpu.memory_space<semaphore_mem>>, %arg23: memref<!tpu.dma_semaphore, #tpu.memory_space<semaphore_mem>>, %arg24: memref<!tpu.dma_semaphore, #tpu.memory_space<semaphore_mem>>) attributes {dimension_semantics = [#tpu.dimension_semantics<core_parallel>, #tpu.dimension_semantics<subcore_parallel>], iteration_bounds = array<i64: 2, 16>, scalar_prefetch = 0 : i64, scratch_operands = 16 : i64, tpu.core_type = #tpu.core_type<sc_vector_subcore>, window_params = [{transform_indices = #map}, {transform_indices = #map1}, {transform_indices = #map1}, {transform_indices = #map}, {transform_indices = #map1}, {transform_indices = #map2}, {transform_indices = #map2}]} {
    %mul3A = arith.constant 2 : i32
    %mul3A_0 = arith.muli %arg1, %mul3A : i32
    %add3A = arith.addi %mul3A_0, %arg0 : i32
    "tpu.region"() ({
      %run_scoped3A = tpu.sem_alloc : memref<!tpu.dma_semaphore, #tpu.memory_space<semaphore_mem>>
      tpu.enqueue_dma source(%arg5 : memref<128x128xf32, #tpu.memory_space<hbm>>) target(%arg16 : memref<128x128xf32, #tpu.memory_space<vmem>>) target_semaphore(%run_scoped3A : memref<!tpu.dma_semaphore, #tpu.memory_space<semaphore_mem>>)
      tpu.wait_dma2 semaphore(%run_scoped3A : memref<!tpu.dma_semaphore, #tpu.memory_space<semaphore_mem>>) src(%arg5 : memref<128x128xf32, #tpu.memory_space<hbm>>) dst(%arg16 : memref<128x128xf32, #tpu.memory_space<vmem>>)
      tpu.yield
    }) : () -> ()
    "tpu.region"() ({
      %run_scoped3A = tpu.sem_alloc : memref<!tpu.dma_semaphore, #tpu.memory_space<semaphore_mem>>
      tpu.enqueue_dma source(%arg6 : memref<10000xf32, #tpu.memory_space<hbm>>) target(%arg18 : memref<10000xf32, #tpu.memory_space<vmem>>) target_semaphore(%run_scoped3A : memref<!tpu.dma_semaphore, #tpu.memory_space<semaphore_mem>>)
      tpu.wait_dma2 semaphore(%run_scoped3A : memref<!tpu.dma_semaphore, #tpu.memory_space<semaphore_mem>>) src(%arg6 : memref<10000xf32, #tpu.memory_space<hbm>>) dst(%arg18 : memref<10000xf32, #tpu.memory_space<vmem>>)
      tpu.yield
    }) : () -> ()
    %scan3A = arith.constant 0 : i32
    %scan3A_1 = arith.constant 0 : i32
    %scan3A_2 = arith.constant 4 : i32
    %scan3A_3 = arith.addi %scan3A_1, %scan3A_2 : i32
    %scan3A_4 = arith.constant 1 : i32
    scf.for %scan3A_190 = %scan3A_1 to %scan3A_3 step %scan3A_4  : i32 {
      %mul3A_191 = arith.constant 16 : i32
      %mul3A_192 = arith.muli %scan3A_190, %mul3A_191 : i32
      %add3A_193 = arith.addi %arg1, %mul3A_192 : i32
      %mul3A_194 = arith.constant 128 : i32
      %mul3A_195 = arith.muli %add3A_193, %mul3A_194 : i32
      "tpu.region"() ({
        %run_scoped3A = tpu.sem_alloc : memref<!tpu.dma_semaphore, #tpu.memory_space<semaphore_mem>>
        %dma_start3A_196 = arith.constant 0 : i32
        %dma_start3A_197 = tpu.memref_slice %arg9[%mul3A_195, %dma_start3A_196] : memref<10000x128xf32, #tpu.memory_space<vmem_shared>> -> memref<128x128xf32, #tpu.memory_space<vmem_shared>>
        %dma_start3A_198 = arith.constant 0 : i32
        %dma_start3A_199 = tpu.memref_slice %arg9[%mul3A_195, %dma_start3A_198] : memref<10000x128xf32, #tpu.memory_space<vmem_shared>> -> memref<128x128xf32, #tpu.memory_space<vmem_shared>>
        tpu.enqueue_dma source(%arg16 : memref<128x128xf32, #tpu.memory_space<vmem>>) target(%dma_start3A_199 : memref<128x128xf32, #tpu.memory_space<vmem_shared>>) target_semaphore(%run_scoped3A : memref<!tpu.dma_semaphore, #tpu.memory_space<semaphore_mem>>)
        %dma_wait3A_200 = arith.constant 0 : i32
        %dma_wait3A_201 = tpu.memref_slice %arg9[%mul3A_195, %dma_wait3A_200] : memref<10000x128xf32, #tpu.memory_space<vmem_shared>> -> memref<128x128xf32, #tpu.memory_space<vmem_shared>>
        %dma_wait3A_202 = arith.constant 0 : i32
        %dma_wait3A_203 = tpu.memref_slice %arg9[%mul3A_195, %dma_wait3A_202] : memref<10000x128xf32, #tpu.memory_space<vmem_shared>> -> memref<128x128xf32, #tpu.memory_space<vmem_shared>>
        tpu.wait_dma2 semaphore(%run_scoped3A : memref<!tpu.dma_semaphore, #tpu.memory_space<semaphore_mem>>) src(%arg16 : memref<128x128xf32, #tpu.memory_space<vmem>>) dst(%dma_wait3A_203 : memref<128x128xf32, #tpu.memory_space<vmem_shared>>)
        tpu.yield
      }) : () -> ()
    }
    %scan3A_5 = arith.constant 4 : i32
    %lt3A = arith.constant 14 : i32
    %lt3A_6 = arith.cmpi slt, %arg1, %lt3A : i32
    %convert_element_type3A = arith.extui %lt3A_6 : i1 to i32
    %cond3A = arith.constant 0 : i32
    %cond3A_7 = arith.cmpi ne, %convert_element_type3A, %cond3A : i32
    scf.if %cond3A_7 {
      %add3A_190 = arith.constant 64 : i32
      %add3A_191 = arith.addi %add3A_190, %arg1 : i32
      %mul3A_192 = arith.constant 128 : i32
      %mul3A_193 = arith.muli %add3A_191, %mul3A_192 : i32
      "tpu.region"() ({
        %run_scoped3A = tpu.sem_alloc : memref<!tpu.dma_semaphore, #tpu.memory_space<semaphore_mem>>
        %dma_start3A_194 = arith.constant 0 : i32
        %dma_start3A_195 = tpu.memref_slice %arg9[%mul3A_193, %dma_start3A_194] : memref<10000x128xf32, #tpu.memory_space<vmem_shared>> -> memref<128x128xf32, #tpu.memory_space<vmem_shared>>
        %dma_start3A_196 = arith.constant 0 : i32
        %dma_start3A_197 = tpu.memref_slice %arg9[%mul3A_193, %dma_start3A_196] : memref<10000x128xf32, #tpu.memory_space<vmem_shared>> -> memref<128x128xf32, #tpu.memory_space<vmem_shared>>
        tpu.enqueue_dma source(%arg16 : memref<128x128xf32, #tpu.memory_space<vmem>>) target(%dma_start3A_197 : memref<128x128xf32, #tpu.memory_space<vmem_shared>>) target_semaphore(%run_scoped3A : memref<!tpu.dma_semaphore, #tpu.memory_space<semaphore_mem>>)
        %dma_wait3A_198 = arith.constant 0 : i32
        %dma_wait3A_199 = tpu.memref_slice %arg9[%mul3A_193, %dma_wait3A_198] : memref<10000x128xf32, #tpu.memory_space<vmem_shared>> -> memref<128x128xf32, #tpu.memory_space<vmem_shared>>
        %dma_wait3A_200 = arith.constant 0 : i32
        %dma_wait3A_201 = tpu.memref_slice %arg9[%mul3A_193, %dma_wait3A_200] : memref<10000x128xf32, #tpu.memory_space<vmem_shared>> -> memref<128x128xf32, #tpu.memory_space<vmem_shared>>
        tpu.wait_dma2 semaphore(%run_scoped3A : memref<!tpu.dma_semaphore, #tpu.memory_space<semaphore_mem>>) src(%arg16 : memref<128x128xf32, #tpu.memory_space<vmem>>) dst(%dma_wait3A_201 : memref<128x128xf32, #tpu.memory_space<vmem_shared>>)
        tpu.yield
      }) : () -> ()
    } else {
    }
    %eq3A = arith.constant 15 : i32
    %eq3A_8 = arith.cmpi eq, %arg1, %eq3A : i32
    %convert_element_type3A_9 = arith.extui %eq3A_8 : i1 to i32
    %cond3A_10 = arith.constant 0 : i32
    %cond3A_11 = arith.cmpi ne, %convert_element_type3A_9, %cond3A_10 : i32
    scf.if %cond3A_11 {
      "tpu.region"() ({
        %run_scoped3A = tpu.sem_alloc : memref<!tpu.dma_semaphore, #tpu.memory_space<semaphore_mem>>
        %dma_start3A_190 = arith.constant 0 : i32
        %dma_start3A_191 = arith.constant 0 : i32
        %dma_start3A_192 = tpu.memref_slice %arg16[%dma_start3A_190, %dma_start3A_191] : memref<128x128xf32, #tpu.memory_space<vmem>> -> memref<16x128xf32, #tpu.memory_space<vmem>>
        %dma_start3A_193 = arith.constant 9984 : i32
        %dma_start3A_194 = arith.constant 0 : i32
        %dma_start3A_195 = tpu.memref_slice %arg9[%dma_start3A_193, %dma_start3A_194] : memref<10000x128xf32, #tpu.memory_space<vmem_shared>> -> memref<16x128xf32, #tpu.memory_space<vmem_shared>>
        %dma_start3A_196 = arith.constant 9984 : i32
        %dma_start3A_197 = arith.constant 0 : i32
        %dma_start3A_198 = tpu.memref_slice %arg9[%dma_start3A_196, %dma_start3A_197] : memref<10000x128xf32, #tpu.memory_space<vmem_shared>> -> memref<16x128xf32, #tpu.memory_space<vmem_shared>>
        %dma_start3A_199 = arith.constant 0 : i32
        %dma_start3A_200 = arith.constant 0 : i32
        %dma_start3A_201 = tpu.memref_slice %arg16[%dma_start3A_199, %dma_start3A_200] : memref<128x128xf32, #tpu.memory_space<vmem>> -> memref<16x128xf32, #tpu.memory_space<vmem>>
        tpu.enqueue_dma source(%dma_start3A_201 : memref<16x128xf32, #tpu.memory_space<vmem>>) target(%dma_start3A_198 : memref<16x128xf32, #tpu.memory_space<vmem_shared>>) target_semaphore(%run_scoped3A : memref<!tpu.dma_semaphore, #tpu.memory_space<semaphore_mem>>)
        %dma_wait3A_202 = arith.constant 0 : i32
        %dma_wait3A_203 = arith.constant 0 : i32
        %dma_wait3A_204 = tpu.memref_slice %arg16[%dma_wait3A_202, %dma_wait3A_203] : memref<128x128xf32, #tpu.memory_space<vmem>> -> memref<16x128xf32, #tpu.memory_space<vmem>>
        %dma_wait3A_205 = arith.constant 9984 : i32
        %dma_wait3A_206 = arith.constant 0 : i32
        %dma_wait3A_207 = tpu.memref_slice %arg9[%dma_wait3A_205, %dma_wait3A_206] : memref<10000x128xf32, #tpu.memory_space<vmem_shared>> -> memref<16x128xf32, #tpu.memory_space<vmem_shared>>
        %dma_wait3A_208 = arith.constant 9984 : i32
        %dma_wait3A_209 = arith.constant 0 : i32
        %dma_wait3A_210 = tpu.memref_slice %arg9[%dma_wait3A_208, %dma_wait3A_209] : memref<10000x128xf32, #tpu.memory_space<vmem_shared>> -> memref<16x128xf32, #tpu.memory_space<vmem_shared>>
        %dma_wait3A_211 = arith.constant 0 : i32
        %dma_wait3A_212 = arith.constant 0 : i32
        %dma_wait3A_213 = tpu.memref_slice %arg16[%dma_wait3A_211, %dma_wait3A_212] : memref<128x128xf32, #tpu.memory_space<vmem>> -> memref<16x128xf32, #tpu.memory_space<vmem>>
        tpu.wait_dma2 semaphore(%run_scoped3A : memref<!tpu.dma_semaphore, #tpu.memory_space<semaphore_mem>>) src(%dma_wait3A_213 : memref<16x128xf32, #tpu.memory_space<vmem>>) dst(%dma_wait3A_210 : memref<16x128xf32, #tpu.memory_space<vmem_shared>>)
        tpu.yield
      }) : () -> ()
    } else {
    }
    %barrier3A = arith.constant 0 : index
    tpu.barrier barrier_id(%barrier3A)
    %mul3A_12 = arith.constant 78 : i32
    %mul3A_13 = arith.muli %add3A, %mul3A_12 : i32
    %add3A_14 = arith.constant 0 : i32
    %add3A_15 = arith.addi %mul3A_13, %add3A_14 : i32
    %mul3A_16 = arith.constant 128 : i32
    %mul3A_17 = arith.muli %add3A_15, %mul3A_16 : i32
    "tpu.region"() ({
      %run_scoped3A = tpu.sem_alloc : memref<!tpu.dma_semaphore, #tpu.memory_space<semaphore_mem>>
      %dma_start3A_190 = tpu.memref_slice %arg4[%mul3A_17] : memref<320000xi32, #tpu.memory_space<hbm>> -> memref<128xi32, #tpu.memory_space<hbm>>
      %dma_start3A_191 = tpu.memref_slice %arg4[%mul3A_17] : memref<320000xi32, #tpu.memory_space<hbm>> -> memref<128xi32, #tpu.memory_space<hbm>>
      tpu.enqueue_dma source(%dma_start3A_191 : memref<128xi32, #tpu.memory_space<hbm>>) target(%arg10 : memref<128xi32, #tpu.memory_space<vmem>>) target_semaphore(%run_scoped3A : memref<!tpu.dma_semaphore, #tpu.memory_space<semaphore_mem>>)
      %dma_wait3A_192 = tpu.memref_slice %arg4[%mul3A_17] : memref<320000xi32, #tpu.memory_space<hbm>> -> memref<128xi32, #tpu.memory_space<hbm>>
      %dma_wait3A_193 = tpu.memref_slice %arg4[%mul3A_17] : memref<320000xi32, #tpu.memory_space<hbm>> -> memref<128xi32, #tpu.memory_space<hbm>>
      tpu.wait_dma2 semaphore(%run_scoped3A : memref<!tpu.dma_semaphore, #tpu.memory_space<semaphore_mem>>) src(%dma_wait3A_193 : memref<128xi32, #tpu.memory_space<hbm>>) dst(%arg10 : memref<128xi32, #tpu.memory_space<vmem>>)
      tpu.yield
    }) : () -> ()
    "tpu.region"() ({
      %run_scoped3A = tpu.sem_alloc : memref<!tpu.dma_semaphore, #tpu.memory_space<semaphore_mem>>
      %dma_start3A_190 = tpu.memref_slice %arg3[%mul3A_17] : memref<320000xi32, #tpu.memory_space<hbm>> -> memref<128xi32, #tpu.memory_space<hbm>>
      %dma_start3A_191 = tpu.memref_slice %arg3[%mul3A_17] : memref<320000xi32, #tpu.memory_space<hbm>> -> memref<128xi32, #tpu.memory_space<hbm>>
      tpu.enqueue_dma source(%dma_start3A_191 : memref<128xi32, #tpu.memory_space<hbm>>) target(%arg12 : memref<128xi32, #tpu.memory_space<vmem>>) target_semaphore(%run_scoped3A : memref<!tpu.dma_semaphore, #tpu.memory_space<semaphore_mem>>)
      %dma_wait3A_192 = tpu.memref_slice %arg3[%mul3A_17] : memref<320000xi32, #tpu.memory_space<hbm>> -> memref<128xi32, #tpu.memory_space<hbm>>
      %dma_wait3A_193 = tpu.memref_slice %arg3[%mul3A_17] : memref<320000xi32, #tpu.memory_space<hbm>> -> memref<128xi32, #tpu.memory_space<hbm>>
      tpu.wait_dma2 semaphore(%run_scoped3A : memref<!tpu.dma_semaphore, #tpu.memory_space<semaphore_mem>>) src(%dma_wait3A_193 : memref<128xi32, #tpu.memory_space<hbm>>) dst(%arg12 : memref<128xi32, #tpu.memory_space<vmem>>)
      tpu.yield
    }) : () -> ()
    %dma_start3A = arith.constant 0 : i32
    %dma_start3A_18 = arith.constant 0 : i32
    %dma_start3A_19 = tpu.memref_slice %arg2[%dma_start3A, %dma_start3A_18] : memref<10000x128xf32, #tpu.memory_space<hbm>> -> memref<10000x128xf32, #tpu.memory_space<hbm>>
    tpu.enqueue_indirect_dma source(%dma_start3A_19 : memref<10000x128xf32, #tpu.memory_space<hbm>>) target(%arg16 : memref<128x128xf32, #tpu.memory_space<vmem>>) offsets(%arg10 : memref<128xi32, #tpu.memory_space<vmem>>) semaphore(%arg19 : memref<!tpu.dma_semaphore, #tpu.memory_space<semaphore_mem>>)
    %mul3A_20 = arith.constant 78 : i32
    %mul3A_21 = arith.muli %add3A, %mul3A_20 : i32
    %add3A_22 = arith.constant 1 : i32
    %add3A_23 = arith.addi %mul3A_21, %add3A_22 : i32
    %mul3A_24 = arith.constant 128 : i32
    %mul3A_25 = arith.muli %add3A_23, %mul3A_24 : i32
    %dma_start3A_26 = tpu.memref_slice %arg4[%mul3A_25] : memref<320000xi32, #tpu.memory_space<hbm>> -> memref<128xi32, #tpu.memory_space<hbm>>
    %dma_start3A_27 = tpu.memref_slice %arg4[%mul3A_25] : memref<320000xi32, #tpu.memory_space<hbm>> -> memref<128xi32, #tpu.memory_space<hbm>>
    tpu.enqueue_dma source(%dma_start3A_27 : memref<128xi32, #tpu.memory_space<hbm>>) target(%arg11 : memref<128xi32, #tpu.memory_space<vmem>>) target_semaphore(%arg22 : memref<!tpu.dma_semaphore, #tpu.memory_space<semaphore_mem>>)
    %dma_start3A_28 = tpu.memref_slice %arg3[%mul3A_25] : memref<320000xi32, #tpu.memory_space<hbm>> -> memref<128xi32, #tpu.memory_space<hbm>>
    %dma_start3A_29 = tpu.memref_slice %arg3[%mul3A_25] : memref<320000xi32, #tpu.memory_space<hbm>> -> memref<128xi32, #tpu.memory_space<hbm>>
    tpu.enqueue_dma source(%dma_start3A_29 : memref<128xi32, #tpu.memory_space<hbm>>) target(%arg13 : memref<128xi32, #tpu.memory_space<vmem>>) target_semaphore(%arg22 : memref<!tpu.dma_semaphore, #tpu.memory_space<semaphore_mem>>)
    %get3A = arith.constant 0 : index
    %get3A_30 = tpu.vector_load %arg12[%get3A] {strides = array<i32>} : memref<128xi32, #tpu.memory_space<vmem>>, vector<16xi32>,
    %swap3A = arith.constant 0 : index
    %swap3A_31 = tpu.vector_load %arg14[%swap3A] {strides = array<i32>} : memref<128xi32, #tpu.memory_space<vmem>>, vector<16xi32>,
    tpu.vector_store %arg14[%swap3A], %get3A_30 {strides = array<i32>} : memref<128xi32, #tpu.memory_space<vmem>>, vector<16xi32>,
    %get3A_32 = arith.constant 16 : index
    %get3A_33 = tpu.vector_load %arg12[%get3A_32] {strides = array<i32>} : memref<128xi32, #tpu.memory_space<vmem>>, vector<16xi32>,
    %swap3A_34 = arith.constant 16 : index
    %swap3A_35 = tpu.vector_load %arg14[%swap3A_34] {strides = array<i32>} : memref<128xi32, #tpu.memory_space<vmem>>, vector<16xi32>,
    tpu.vector_store %arg14[%swap3A_34], %get3A_33 {strides = array<i32>} : memref<128xi32, #tpu.memory_space<vmem>>, vector<16xi32>,
    %get3A_36 = arith.constant 32 : index
    %get3A_37 = tpu.vector_load %arg12[%get3A_36] {strides = array<i32>} : memref<128xi32, #tpu.memory_space<vmem>>, vector<16xi32>,
    %swap3A_38 = arith.constant 32 : index
    %swap3A_39 = tpu.vector_load %arg14[%swap3A_38] {strides = array<i32>} : memref<128xi32, #tpu.memory_space<vmem>>, vector<16xi32>,
    tpu.vector_store %arg14[%swap3A_38], %get3A_37 {strides = array<i32>} : memref<128xi32, #tpu.memory_space<vmem>>, vector<16xi32>,
    %get3A_40 = arith.constant 48 : index
    %get3A_41 = tpu.vector_load %arg12[%get3A_40] {strides = array<i32>} : memref<128xi32, #tpu.memory_space<vmem>>, vector<16xi32>,
    %swap3A_42 = arith.constant 48 : index
    %swap3A_43 = tpu.vector_load %arg14[%swap3A_42] {strides = array<i32>} : memref<128xi32, #tpu.memory_space<vmem>>, vector<16xi32>,
    tpu.vector_store %arg14[%swap3A_42], %get3A_41 {strides = array<i32>} : memref<128xi32, #tpu.memory_space<vmem>>, vector<16xi32>,
    %get3A_44 = arith.constant 64 : index
    %get3A_45 = tpu.vector_load %arg12[%get3A_44] {strides = array<i32>} : memref<128xi32, #tpu.memory_space<vmem>>, vector<16xi32>,
    %swap3A_46 = arith.constant 64 : index
    %swap3A_47 = tpu.vector_load %arg14[%swap3A_46] {strides = array<i32>} : memref<128xi32, #tpu.memory_space<vmem>>, vector<16xi32>,
    tpu.vector_store %arg14[%swap3A_46], %get3A_45 {strides = array<i32>} : memref<128xi32, #tpu.memory_space<vmem>>, vector<16xi32>,
    %get3A_48 = arith.constant 80 : index
    %get3A_49 = tpu.vector_load %arg12[%get3A_48] {strides = array<i32>} : memref<128xi32, #tpu.memory_space<vmem>>, vector<16xi32>,
    %swap3A_50 = arith.constant 80 : index
    %swap3A_51 = tpu.vector_load %arg14[%swap3A_50] {strides = array<i32>} : memref<128xi32, #tpu.memory_space<vmem>>, vector<16xi32>,
    tpu.vector_store %arg14[%swap3A_50], %get3A_49 {strides = array<i32>} : memref<128xi32, #tpu.memory_space<vmem>>, vector<16xi32>,
    %get3A_52 = arith.constant 96 : index
    %get3A_53 = tpu.vector_load %arg12[%get3A_52] {strides = array<i32>} : memref<128xi32, #tpu.memory_space<vmem>>, vector<16xi32>,
    %swap3A_54 = arith.constant 96 : index
    %swap3A_55 = tpu.vector_load %arg14[%swap3A_54] {strides = array<i32>} : memref<128xi32, #tpu.memory_space<vmem>>, vector<16xi32>,
    tpu.vector_store %arg14[%swap3A_54], %get3A_53 {strides = array<i32>} : memref<128xi32, #tpu.memory_space<vmem>>, vector<16xi32>,
    %get3A_56 = arith.constant 112 : index
    %get3A_57 = tpu.vector_load %arg12[%get3A_56] {strides = array<i32>} : memref<128xi32, #tpu.memory_space<vmem>>, vector<16xi32>,
    %swap3A_58 = arith.constant 112 : index
    %swap3A_59 = tpu.vector_load %arg14[%swap3A_58] {strides = array<i32>} : memref<128xi32, #tpu.memory_space<vmem>>, vector<16xi32>,
    tpu.vector_store %arg14[%swap3A_58], %get3A_57 {strides = array<i32>} : memref<128xi32, #tpu.memory_space<vmem>>, vector<16xi32>,
    %dma_wait3A = arith.constant 0 : i32
    %dma_wait3A_60 = tpu.memref_slice %arg4[%dma_wait3A] : memref<320000xi32, #tpu.memory_space<hbm>> -> memref<128xi32, #tpu.memory_space<hbm>>
    %dma_wait3A_61 = arith.constant 0 : i32
    %dma_wait3A_62 = tpu.memref_slice %arg4[%dma_wait3A_61] : memref<320000xi32, #tpu.memory_space<hbm>> -> memref<128xi32, #tpu.memory_space<hbm>>
    tpu.wait_dma2 semaphore(%arg22 : memref<!tpu.dma_semaphore, #tpu.memory_space<semaphore_mem>>) src(%dma_wait3A_62 : memref<128xi32, #tpu.memory_space<hbm>>) dst(%arg11 : memref<128xi32, #tpu.memory_space<vmem>>)
    %dma_wait3A_63 = arith.constant 0 : i32
    %dma_wait3A_64 = tpu.memref_slice %arg3[%dma_wait3A_63] : memref<320000xi32, #tpu.memory_space<hbm>> -> memref<128xi32, #tpu.memory_space<hbm>>
    %dma_wait3A_65 = arith.constant 0 : i32
    %dma_wait3A_66 = tpu.memref_slice %arg3[%dma_wait3A_65] : memref<320000xi32, #tpu.memory_space<hbm>> -> memref<128xi32, #tpu.memory_space<hbm>>
    tpu.wait_dma2 semaphore(%arg22 : memref<!tpu.dma_semaphore, #tpu.memory_space<semaphore_mem>>) src(%dma_wait3A_66 : memref<128xi32, #tpu.memory_space<hbm>>) dst(%arg13 : memref<128xi32, #tpu.memory_space<vmem>>)
    %dma_start3A_67 = arith.constant 0 : i32
    %dma_start3A_68 = arith.constant 0 : i32
    %dma_start3A_69 = tpu.memref_slice %arg2[%dma_start3A_67, %dma_start3A_68] : memref<10000x128xf32, #tpu.memory_space<hbm>> -> memref<10000x128xf32, #tpu.memory_space<hbm>>
    tpu.enqueue_indirect_dma source(%dma_start3A_69 : memref<10000x128xf32, #tpu.memory_space<hbm>>) target(%arg17 : memref<128x128xf32, #tpu.memory_space<vmem>>) offsets(%arg11 : memref<128xi32, #tpu.memory_space<vmem>>) semaphore(%arg20 : memref<!tpu.dma_semaphore, #tpu.memory_space<semaphore_mem>>)
    %dma_wait3A_70 = arith.constant 0 : i32
    %dma_wait3A_71 = arith.constant 0 : i32
    %dma_wait3A_72 = tpu.memref_slice %arg2[%dma_wait3A_70, %dma_wait3A_71] : memref<10000x128xf32, #tpu.memory_space<hbm>> -> memref<10000x128xf32, #tpu.memory_space<hbm>>
    tpu.wait_indirect_dma semaphore(%arg19 : memref<!tpu.dma_semaphore, #tpu.memory_space<semaphore_mem>>) src(%dma_wait3A_72 : memref<10000x128xf32, #tpu.memory_space<hbm>>) dst(%arg16 : memref<128x128xf32, #tpu.memory_space<vmem>>)
    %dma_start3A_73 = arith.constant 0 : i32
    %dma_start3A_74 = arith.constant 0 : i32
    %dma_start3A_75 = tpu.memref_slice %arg9[%dma_start3A_73, %dma_start3A_74] : memref<10000x128xf32, #tpu.memory_space<vmem_shared>> -> memref<10000x128xf32, #tpu.memory_space<vmem_shared>>
    tpu.enqueue_indirect_dma source(%arg16 : memref<128x128xf32, #tpu.memory_space<vmem>>) target(%dma_start3A_75 : memref<10000x128xf32, #tpu.memory_space<vmem_shared>>) offsets(%arg14 : memref<128xi32, #tpu.memory_space<vmem>>) semaphore(%arg23 : memref<!tpu.dma_semaphore, #tpu.memory_space<semaphore_mem>>) {add = true}
    %mul3A_76 = arith.constant 78 : i32
    %mul3A_77 = arith.muli %add3A, %mul3A_76 : i32
    %add3A_78 = arith.constant 2 : i32
    %add3A_79 = arith.addi %mul3A_77, %add3A_78 : i32
    %mul3A_80 = arith.constant 128 : i32
    %mul3A_81 = arith.muli %add3A_79, %mul3A_80 : i32
    %dma_start3A_82 = tpu.memref_slice %arg4[%mul3A_81] : memref<320000xi32, #tpu.memory_space<hbm>> -> memref<128xi32, #tpu.memory_space<hbm>>
    %dma_start3A_83 = tpu.memref_slice %arg4[%mul3A_81] : memref<320000xi32, #tpu.memory_space<hbm>> -> memref<128xi32, #tpu.memory_space<hbm>>
    tpu.enqueue_dma source(%dma_start3A_83 : memref<128xi32, #tpu.memory_space<hbm>>) target(%arg10 : memref<128xi32, #tpu.memory_space<vmem>>) target_semaphore(%arg21 : memref<!tpu.dma_semaphore, #tpu.memory_space<semaphore_mem>>)
    %dma_start3A_84 = tpu.memref_slice %arg3[%mul3A_81] : memref<320000xi32, #tpu.memory_space<hbm>> -> memref<128xi32, #tpu.memory_space<hbm>>
    %dma_start3A_85 = tpu.memref_slice %arg3[%mul3A_81] : memref<320000xi32, #tpu.memory_space<hbm>> -> memref<128xi32, #tpu.memory_space<hbm>>
    tpu.enqueue_dma source(%dma_start3A_85 : memref<128xi32, #tpu.memory_space<hbm>>) target(%arg12 : memref<128xi32, #tpu.memory_space<vmem>>) target_semaphore(%arg21 : memref<!tpu.dma_semaphore, #tpu.memory_space<semaphore_mem>>)
    %get3A_86 = arith.constant 0 : index
    %get3A_87 = tpu.vector_load %arg13[%get3A_86] {strides = array<i32>} : memref<128xi32, #tpu.memory_space<vmem>>, vector<16xi32>,
    %swap3A_88 = arith.constant 0 : index
    %swap3A_89 = tpu.vector_load %arg15[%swap3A_88] {strides = array<i32>} : memref<128xi32, #tpu.memory_space<vmem>>, vector<16xi32>,
    tpu.vector_store %arg15[%swap3A_88], %get3A_87 {strides = array<i32>} : memref<128xi32, #tpu.memory_space<vmem>>, vector<16xi32>,
    %get3A_90 = arith.constant 16 : index
    %get3A_91 = tpu.vector_load %arg13[%get3A_90] {strides = array<i32>} : memref<128xi32, #tpu.memory_space<vmem>>, vector<16xi32>,
    %swap3A_92 = arith.constant 16 : index
    %swap3A_93 = tpu.vector_load %arg15[%swap3A_92] {strides = array<i32>} : memref<128xi32, #tpu.memory_space<vmem>>, vector<16xi32>,
    tpu.vector_store %arg15[%swap3A_92], %get3A_91 {strides = array<i32>} : memref<128xi32, #tpu.memory_space<vmem>>, vector<16xi32>,
    %get3A_94 = arith.constant 32 : index
    %get3A_95 = tpu.vector_load %arg13[%get3A_94] {strides = array<i32>} : memref<128xi32, #tpu.memory_space<vmem>>, vector<16xi32>,
    %swap3A_96 = arith.constant 32 : index
    %swap3A_97 = tpu.vector_load %arg15[%swap3A_96] {strides = array<i32>} : memref<128xi32, #tpu.memory_space<vmem>>, vector<16xi32>,
    tpu.vector_store %arg15[%swap3A_96], %get3A_95 {strides = array<i32>} : memref<128xi32, #tpu.memory_space<vmem>>, vector<16xi32>,
    %get3A_98 = arith.constant 48 : index
    %get3A_99 = tpu.vector_load %arg13[%get3A_98] {strides = array<i32>} : memref<128xi32, #tpu.memory_space<vmem>>, vector<16xi32>,
    %swap3A_100 = arith.constant 48 : index
    %swap3A_101 = tpu.vector_load %arg15[%swap3A_100] {strides = array<i32>} : memref<128xi32, #tpu.memory_space<vmem>>, vector<16xi32>,
    tpu.vector_store %arg15[%swap3A_100], %get3A_99 {strides = array<i32>} : memref<128xi32, #tpu.memory_space<vmem>>, vector<16xi32>,
    %get3A_102 = arith.constant 64 : index
    %get3A_103 = tpu.vector_load %arg13[%get3A_102] {strides = array<i32>} : memref<128xi32, #tpu.memory_space<vmem>>, vector<16xi32>,
    %swap3A_104 = arith.constant 64 : index
    %swap3A_105 = tpu.vector_load %arg15[%swap3A_104] {strides = array<i32>} : memref<128xi32, #tpu.memory_space<vmem>>, vector<16xi32>,
    tpu.vector_store %arg15[%swap3A_104], %get3A_103 {strides = array<i32>} : memref<128xi32, #tpu.memory_space<vmem>>, vector<16xi32>,
    %get3A_106 = arith.constant 80 : index
    %get3A_107 = tpu.vector_load %arg13[%get3A_106] {strides = array<i32>} : memref<128xi32, #tpu.memory_space<vmem>>, vector<16xi32>,
    %swap3A_108 = arith.constant 80 : index
    %swap3A_109 = tpu.vector_load %arg15[%swap3A_108] {strides = array<i32>} : memref<128xi32, #tpu.memory_space<vmem>>, vector<16xi32>,
    tpu.vector_store %arg15[%swap3A_108], %get3A_107 {strides = array<i32>} : memref<128xi32, #tpu.memory_space<vmem>>, vector<16xi32>,
    %get3A_110 = arith.constant 96 : index
    %get3A_111 = tpu.vector_load %arg13[%get3A_110] {strides = array<i32>} : memref<128xi32, #tpu.memory_space<vmem>>, vector<16xi32>,
    %swap3A_112 = arith.constant 96 : index
    %swap3A_113 = tpu.vector_load %arg15[%swap3A_112] {strides = array<i32>} : memref<128xi32, #tpu.memory_space<vmem>>, vector<16xi32>,
    tpu.vector_store %arg15[%swap3A_112], %get3A_111 {strides = array<i32>} : memref<128xi32, #tpu.memory_space<vmem>>, vector<16xi32>,
    %get3A_114 = arith.constant 112 : index
    %get3A_115 = tpu.vector_load %arg13[%get3A_114] {strides = array<i32>} : memref<128xi32, #tpu.memory_space<vmem>>, vector<16xi32>,
    %swap3A_116 = arith.constant 112 : index
    %swap3A_117 = tpu.vector_load %arg15[%swap3A_116] {strides = array<i32>} : memref<128xi32, #tpu.memory_space<vmem>>, vector<16xi32>,
    tpu.vector_store %arg15[%swap3A_116], %get3A_115 {strides = array<i32>} : memref<128xi32, #tpu.memory_space<vmem>>, vector<16xi32>,
    %dma_wait3A_118 = arith.constant 0 : i32
    %dma_wait3A_119 = arith.constant 0 : i32
    %dma_wait3A_120 = tpu.memref_slice %arg9[%dma_wait3A_118, %dma_wait3A_119] : memref<10000x128xf32, #tpu.memory_space<vmem_shared>> -> memref<10000x128xf32, #tpu.memory_space<vmem_shared>>
    tpu.wait_indirect_dma semaphore(%arg23 : memref<!tpu.dma_semaphore, #tpu.memory_space<semaphore_mem>>) src(%arg16 : memref<128x128xf32, #tpu.memory_space<vmem>>) dst(%dma_wait3A_120 : memref<10000x128xf32, #tpu.memory_space<vmem_shared>>)
    %dma_wait3A_121 = arith.constant 0 : i32
    %dma_wait3A_122 = tpu.memref_slice %arg4[%dma_wait3A_121] : memref<320000xi32, #tpu.memory_space<hbm>> -> memref<128xi32, #tpu.memory_space<hbm>>
    %dma_wait3A_123 = arith.constant 0 : i32
    %dma_wait3A_124 = tpu.memref_slice %arg4[%dma_wait3A_123] : memref<320000xi32, #tpu.memory_space<hbm>> -> memref<128xi32, #tpu.memory_space<hbm>>
    tpu.wait_dma2 semaphore(%arg21 : memref<!tpu.dma_semaphore, #tpu.memory_space<semaphore_mem>>) src(%dma_wait3A_124 : memref<128xi32, #tpu.memory_space<hbm>>) dst(%arg10 : memref<128xi32, #tpu.memory_space<vmem>>)
    %dma_wait3A_125 = arith.constant 0 : i32
    %dma_wait3A_126 = tpu.memref_slice %arg3[%dma_wait3A_125] : memref<320000xi32, #tpu.memory_space<hbm>> -> memref<128xi32, #tpu.memory_space<hbm>>
    %dma_wait3A_127 = arith.constant 0 : i32
    %dma_wait3A_128 = tpu.memref_slice %arg3[%dma_wait3A_127] : memref<320000xi32, #tpu.memory_space<hbm>> -> memref<128xi32, #tpu.memory_space<hbm>>
    tpu.wait_dma2 semaphore(%arg21 : memref<!tpu.dma_semaphore, #tpu.memory_space<semaphore_mem>>) src(%dma_wait3A_128 : memref<128xi32, #tpu.memory_space<hbm>>) dst(%arg12 : memref<128xi32, #tpu.memory_space<vmem>>)
    %dma_start3A_129 = arith.constant 0 : i32
    %dma_start3A_130 = arith.constant 0 : i32
    %dma_start3A_131 = tpu.memref_slice %arg2[%dma_start3A_129, %dma_start3A_130] : memref<10000x128xf32, #tpu.memory_space<hbm>> -> memref<10000x128xf32, #tpu.memory_space<hbm>>
    tpu.enqueue_indirect_dma source(%dma_start3A_131 : memref<10000x128xf32, #tpu.memory_space<hbm>>) target(%arg16 : memref<128x128xf32, #tpu.memory_space<vmem>>) offsets(%arg10 : memref<128xi32, #tpu.memory_space<vmem>>) semaphore(%arg19 : memref<!tpu.dma_semaphore, #tpu.memory_space<semaphore_mem>>)
    %dma_wait3A_132 = arith.constant 0 : i32
    %dma_wait3A_133 = arith.constant 0 : i32
    %dma_wait3A_134 = tpu.memref_slice %arg2[%dma_wait3A_132, %dma_wait3A_133] : memref<10000x128xf32, #tpu.memory_space<hbm>> -> memref<10000x128xf32, #tpu.memory_space<hbm>>
    tpu.wait_indirect_dma semaphore(%arg20 : memref<!tpu.dma_semaphore, #tpu.memory_space<semaphore_mem>>) src(%dma_wait3A_134 : memref<10000x128xf32, #tpu.memory_space<hbm>>) dst(%arg17 : memref<128x128xf32, #tpu.memory_space<vmem>>)
    %dma_start3A_135 = arith.constant 0 : i32
    %dma_start3A_136 = arith.constant 0 : i32
    %dma_start3A_137 = tpu.memref_slice %arg9[%dma_start3A_135, %dma_start3A_136] : memref<10000x128xf32, #tpu.memory_space<vmem_shared>> -> memref<10000x128xf32, #tpu.memory_space<vmem_shared>>
    tpu.enqueue_indirect_dma source(%arg17 : memref<128x128xf32, #tpu.memory_space<vmem>>) target(%dma_start3A_137 : memref<10000x128xf32, #tpu.memory_space<vmem_shared>>) offsets(%arg15 : memref<128xi32, #tpu.memory_space<vmem>>) semaphore(%arg24 : memref<!tpu.dma_semaphore, #tpu.memory_space<semaphore_mem>>) {add = true}
    %mul3A_138 = arith.constant 78 : i32
    %mul3A_139 = arith.muli %add3A, %mul3A_138 : i32
    %add3A_140 = arith.constant 3 : i32
    %add3A_141 = arith.addi %mul3A_139, %add3A_140 : i32
    %mul3A_142 = arith.constant 128 : i32
    %mul3A_143 = arith.muli %add3A_141, %mul3A_142 : i32
    %dma_start3A_144 = tpu.memref_slice %arg4[%mul3A_143] : memref<320000xi32, #tpu.memory_space<hbm>> -> memref<128xi32, #tpu.memory_space<hbm>>
    %dma_start3A_145 = tpu.memref_slice %arg4[%mul3A_143] : memref<320000xi32, #tpu.memory_space<hbm>> -> memref<128xi32, #tpu.memory_space<hbm>>
    tpu.enqueue_dma source(%dma_start3A_145 : memref<128xi32, #tpu.memory_space<hbm>>) target(%arg11 : memref<128xi32, #tpu.memory_space<vmem>>) target_semaphore(%arg22 : memref<!tpu.dma_semaphore, #tpu.memory_space<semaphore_mem>>)
    %dma_start3A_146 = tpu.memref_slice %arg3[%mul3A_143] : memref<320000xi32, #tpu.memory_space<hbm>> -> memref<128xi32, #tpu.memory_space<hbm>>
    %dma_start3A_147 = tpu.memref_slice %arg3[%mul3A_143] : memref<320000xi32, #tpu.memory_space<hbm>> -> memref<128xi32, #tpu.memory_space<hbm>>
    tpu.enqueue_dma source(%dma_start3A_147 : memref<128xi32, #tpu.memory_space<hbm>>) target(%arg13 : memref<128xi32, #tpu.memory_space<vmem>>) target_semaphore(%arg22 : memref<!tpu.dma_semaphore, #tpu.memory_space<semaphore_mem>>)
    %scan3A_148 = arith.constant 0 : i32
    %scan3A_149 = arith.constant 1 : i32
    %scan3A_150 = arith.constant 38 : i32
    %scan3A_151 = arith.addi %scan3A_149, %scan3A_150 : i32
    %scan3A_152 = arith.constant 1 : i32
    scf.for %scan3A_190 = %scan3A_149 to %scan3A_151 step %scan3A_152  : i32 {
      %get3A_191 = arith.constant 0 : index
      %get3A_192 = tpu.vector_load %arg12[%get3A_191] {strides = array<i32>} : memref<128xi32, #tpu.memory_space<vmem>>, vector<16xi32>,
      %swap3A_193 = arith.constant 0 : index
      %swap3A_194 = tpu.vector_load %arg14[%swap3A_193] {strides = array<i32>} : memref<128xi32, #tpu.memory_space<vmem>>, vector<16xi32>,
      tpu.vector_store %arg14[%swap3A_193], %get3A_192 {strides = array<i32>} : memref<128xi32, #tpu.memory_space<vmem>>, vector<16xi32>,
      %get3A_195 = arith.constant 16 : index
      %get3A_196 = tpu.vector_load %arg12[%get3A_195] {strides = array<i32>} : memref<128xi32, #tpu.memory_space<vmem>>, vector<16xi32>,
      %swap3A_197 = arith.constant 16 : index
      %swap3A_198 = tpu.vector_load %arg14[%swap3A_197] {strides = array<i32>} : memref<128xi32, #tpu.memory_space<vmem>>, vector<16xi32>,
      tpu.vector_store %arg14[%swap3A_197], %get3A_196 {strides = array<i32>} : memref<128xi32, #tpu.memory_space<vmem>>, vector<16xi32>,
      %get3A_199 = arith.constant 32 : index
      %get3A_200 = tpu.vector_load %arg12[%get3A_199] {strides = array<i32>} : memref<128xi32, #tpu.memory_space<vmem>>, vector<16xi32>,
      %swap3A_201 = arith.constant 32 : index
      %swap3A_202 = tpu.vector_load %arg14[%swap3A_201] {strides = array<i32>} : memref<128xi32, #tpu.memory_space<vmem>>, vector<16xi32>,
      tpu.vector_store %arg14[%swap3A_201], %get3A_200 {strides = array<i32>} : memref<128xi32, #tpu.memory_space<vmem>>, vector<16xi32>,
      %get3A_203 = arith.constant 48 : index
      %get3A_204 = tpu.vector_load %arg12[%get3A_203] {strides = array<i32>} : memref<128xi32, #tpu.memory_space<vmem>>, vector<16xi32>,
      %swap3A_205 = arith.constant 48 : index
      %swap3A_206 = tpu.vector_load %arg14[%swap3A_205] {strides = array<i32>} : memref<128xi32, #tpu.memory_space<vmem>>, vector<16xi32>,
      tpu.vector_store %arg14[%swap3A_205], %get3A_204 {strides = array<i32>} : memref<128xi32, #tpu.memory_space<vmem>>, vector<16xi32>,
      %get3A_207 = arith.constant 64 : index
      %get3A_208 = tpu.vector_load %arg12[%get3A_207] {strides = array<i32>} : memref<128xi32, #tpu.memory_space<vmem>>, vector<16xi32>,
      %swap3A_209 = arith.constant 64 : index
      %swap3A_210 = tpu.vector_load %arg14[%swap3A_209] {strides = array<i32>} : memref<128xi32, #tpu.memory_space<vmem>>, vector<16xi32>,
      tpu.vector_store %arg14[%swap3A_209], %get3A_208 {strides = array<i32>} : memref<128xi32, #tpu.memory_space<vmem>>, vector<16xi32>,
      %get3A_211 = arith.constant 80 : index
      %get3A_212 = tpu.vector_load %arg12[%get3A_211] {strides = array<i32>} : memref<128xi32, #tpu.memory_space<vmem>>, vector<16xi32>,
      %swap3A_213 = arith.constant 80 : index
      %swap3A_214 = tpu.vector_load %arg14[%swap3A_213] {strides = array<i32>} : memref<128xi32, #tpu.memory_space<vmem>>, vector<16xi32>,
      tpu.vector_store %arg14[%swap3A_213], %get3A_212 {strides = array<i32>} : memref<128xi32, #tpu.memory_space<vmem>>, vector<16xi32>,
      %get3A_215 = arith.constant 96 : index
      %get3A_216 = tpu.vector_load %arg12[%get3A_215] {strides = array<i32>} : memref<128xi32, #tpu.memory_space<vmem>>, vector<16xi32>,
      %swap3A_217 = arith.constant 96 : index
      %swap3A_218 = tpu.vector_load %arg14[%swap3A_217] {strides = array<i32>} : memref<128xi32, #tpu.memory_space<vmem>>, vector<16xi32>,
      tpu.vector_store %arg14[%swap3A_217], %get3A_216 {strides = array<i32>} : memref<128xi32, #tpu.memory_space<vmem>>, vector<16xi32>,
      %get3A_219 = arith.constant 112 : index
      %get3A_220 = tpu.vector_load %arg12[%get3A_219] {strides = array<i32>} : memref<128xi32, #tpu.memory_space<vmem>>, vector<16xi32>,
      %swap3A_221 = arith.constant 112 : index
      %swap3A_222 = tpu.vector_load %arg14[%swap3A_221] {strides = array<i32>} : memref<128xi32, #tpu.memory_space<vmem>>, vector<16xi32>,
      tpu.vector_store %arg14[%swap3A_221], %get3A_220 {strides = array<i32>} : memref<128xi32, #tpu.memory_space<vmem>>, vector<16xi32>,
      %dma_wait3A_223 = arith.constant 0 : i32
      %dma_wait3A_224 = tpu.memref_slice %arg4[%dma_wait3A_223] : memref<320000xi32, #tpu.memory_space<hbm>> -> memref<128xi32, #tpu.memory_space<hbm>>
      %dma_wait3A_225 = arith.constant 0 : i32
      %dma_wait3A_226 = tpu.memref_slice %arg4[%dma_wait3A_225] : memref<320000xi32, #tpu.memory_space<hbm>> -> memref<128xi32, #tpu.memory_space<hbm>>
      tpu.wait_dma2 semaphore(%arg22 : memref<!tpu.dma_semaphore, #tpu.memory_space<semaphore_mem>>) src(%dma_wait3A_226 : memref<128xi32, #tpu.memory_space<hbm>>) dst(%arg11 : memref<128xi32, #tpu.memory_space<vmem>>)
      %dma_wait3A_227 = arith.constant 0 : i32
      %dma_wait3A_228 = tpu.memref_slice %arg3[%dma_wait3A_227] : memref<320000xi32, #tpu.memory_space<hbm>> -> memref<128xi32, #tpu.memory_space<hbm>>
      %dma_wait3A_229 = arith.constant 0 : i32
      %dma_wait3A_230 = tpu.memref_slice %arg3[%dma_wait3A_229] : memref<320000xi32, #tpu.memory_space<hbm>> -> memref<128xi32, #tpu.memory_space<hbm>>
      tpu.wait_dma2 semaphore(%arg22 : memref<!tpu.dma_semaphore, #tpu.memory_space<semaphore_mem>>) src(%dma_wait3A_230 : memref<128xi32, #tpu.memory_space<hbm>>) dst(%arg13 : memref<128xi32, #tpu.memory_space<vmem>>)
      %dma_wait3A_231 = arith.constant 0 : i32
      %dma_wait3A_232 = arith.constant 0 : i32
      %dma_wait3A_233 = tpu.memref_slice %arg9[%dma_wait3A_231, %dma_wait3A_232] : memref<10000x128xf32, #tpu.memory_space<vmem_shared>> -> memref<10000x128xf32, #tpu.memory_space<vmem_shared>>
      tpu.wait_indirect_dma semaphore(%arg24 : memref<!tpu.dma_semaphore, #tpu.memory_space<semaphore_mem>>) src(%arg17 : memref<128x128xf32, #tpu.memory_space<vmem>>) dst(%dma_wait3A_233 : memref<10000x128xf32, #tpu.memory_space<vmem_shared>>)
      %dma_start3A_234 = arith.constant 0 : i32
      %dma_start3A_235 = arith.constant 0 : i32
      %dma_start3A_236 = tpu.memref_slice %arg2[%dma_start3A_234, %dma_start3A_235] : memref<10000x128xf32, #tpu.memory_space<hbm>> -> memref<10000x128xf32, #tpu.memory_space<hbm>>
      tpu.enqueue_indirect_dma source(%dma_start3A_236 : memref<10000x128xf32, #tpu.memory_space<hbm>>) target(%arg17 : memref<128x128xf32, #tpu.memory_space<vmem>>) offsets(%arg11 : memref<128xi32, #tpu.memory_space<vmem>>) semaphore(%arg20 : memref<!tpu.dma_semaphore, #tpu.memory_space<semaphore_mem>>)
      %dma_wait3A_237 = arith.constant 0 : i32
      %dma_wait3A_238 = arith.constant 0 : i32
      %dma_wait3A_239 = tpu.memref_slice %arg2[%dma_wait3A_237, %dma_wait3A_238] : memref<10000x128xf32, #tpu.memory_space<hbm>> -> memref<10000x128xf32, #tpu.memory_space<hbm>>
      tpu.wait_indirect_dma semaphore(%arg19 : memref<!tpu.dma_semaphore, #tpu.memory_space<semaphore_mem>>) src(%dma_wait3A_239 : memref<10000x128xf32, #tpu.memory_space<hbm>>) dst(%arg16 : memref<128x128xf32, #tpu.memory_space<vmem>>)
      %dma_start3A_240 = arith.constant 0 : i32
      %dma_start3A_241 = arith.constant 0 : i32
      %dma_start3A_242 = tpu.memref_slice %arg9[%dma_start3A_240, %dma_start3A_241] : memref<10000x128xf32, #tpu.memory_space<vmem_shared>> -> memref<10000x128xf32, #tpu.memory_space<vmem_shared>>
      tpu.enqueue_indirect_dma source(%arg16 : memref<128x128xf32, #tpu.memory_space<vmem>>) target(%dma_start3A_242 : memref<10000x128xf32, #tpu.memory_space<vmem_shared>>) offsets(%arg14 : memref<128xi32, #tpu.memory_space<vmem>>) semaphore(%arg23 : memref<!tpu.dma_semaphore, #tpu.memory_space<semaphore_mem>>) {add = true}
      %mul3A_243 = arith.constant 2 : i32
      %mul3A_244 = arith.muli %mul3A_243, %scan3A_190 : i32
      %add3A_245 = arith.constant 2 : i32
      %add3A_246 = arith.addi %mul3A_244, %add3A_245 : i32
      %mul3A_247 = arith.constant 78 : i32
      %mul3A_248 = arith.muli %add3A, %mul3A_247 : i32
      %add3A_249 = arith.addi %mul3A_248, %add3A_246 : i32
      %mul3A_250 = arith.constant 128 : i32
      %mul3A_251 = arith.muli %add3A_249, %mul3A_250 : i32
      %dma_start3A_252 = tpu.memref_slice %arg4[%mul3A_251] : memref<320000xi32, #tpu.memory_space<hbm>> -> memref<128xi32, #tpu.memory_space<hbm>>
      %dma_start3A_253 = tpu.memref_slice %arg4[%mul3A_251] : memref<320000xi32, #tpu.memory_space<hbm>> -> memref<128xi32, #tpu.memory_space<hbm>>
      tpu.enqueue_dma source(%dma_start3A_253 : memref<128xi32, #tpu.memory_space<hbm>>) target(%arg10 : memref<128xi32, #tpu.memory_space<vmem>>) target_semaphore(%arg21 : memref<!tpu.dma_semaphore, #tpu.memory_space<semaphore_mem>>)
      %dma_start3A_254 = tpu.memref_slice %arg3[%mul3A_251] : memref<320000xi32, #tpu.memory_space<hbm>> -> memref<128xi32, #tpu.memory_space<hbm>>
      %dma_start3A_255 = tpu.memref_slice %arg3[%mul3A_251] : memref<320000xi32, #tpu.memory_space<hbm>> -> memref<128xi32, #tpu.memory_space<hbm>>
      tpu.enqueue_dma source(%dma_start3A_255 : memref<128xi32, #tpu.memory_space<hbm>>) target(%arg12 : memref<128xi32, #tpu.memory_space<vmem>>) target_semaphore(%arg21 : memref<!tpu.dma_semaphore, #tpu.memory_space<semaphore_mem>>)
      %get3A_256 = arith.constant 0 : index
      %get3A_257 = tpu.vector_load %arg13[%get3A_256] {strides = array<i32>} : memref<128xi32, #tpu.memory_space<vmem>>, vector<16xi32>,
      %swap3A_258 = arith.constant 0 : index
      %swap3A_259 = tpu.vector_load %arg15[%swap3A_258] {strides = array<i32>} : memref<128xi32, #tpu.memory_space<vmem>>, vector<16xi32>,
      tpu.vector_store %arg15[%swap3A_258], %get3A_257 {strides = array<i32>} : memref<128xi32, #tpu.memory_space<vmem>>, vector<16xi32>,
      %get3A_260 = arith.constant 16 : index
      %get3A_261 = tpu.vector_load %arg13[%get3A_260] {strides = array<i32>} : memref<128xi32, #tpu.memory_space<vmem>>, vector<16xi32>,
      %swap3A_262 = arith.constant 16 : index
      %swap3A_263 = tpu.vector_load %arg15[%swap3A_262] {strides = array<i32>} : memref<128xi32, #tpu.memory_space<vmem>>, vector<16xi32>,
      tpu.vector_store %arg15[%swap3A_262], %get3A_261 {strides = array<i32>} : memref<128xi32, #tpu.memory_space<vmem>>, vector<16xi32>,
      %get3A_264 = arith.constant 32 : index
      %get3A_265 = tpu.vector_load %arg13[%get3A_264] {strides = array<i32>} : memref<128xi32, #tpu.memory_space<vmem>>, vector<16xi32>,
      %swap3A_266 = arith.constant 32 : index
      %swap3A_267 = tpu.vector_load %arg15[%swap3A_266] {strides = array<i32>} : memref<128xi32, #tpu.memory_space<vmem>>, vector<16xi32>,
      tpu.vector_store %arg15[%swap3A_266], %get3A_265 {strides = array<i32>} : memref<128xi32, #tpu.memory_space<vmem>>, vector<16xi32>,
      %get3A_268 = arith.constant 48 : index
      %get3A_269 = tpu.vector_load %arg13[%get3A_268] {strides = array<i32>} : memref<128xi32, #tpu.memory_space<vmem>>, vector<16xi32>,
      %swap3A_270 = arith.constant 48 : index
      %swap3A_271 = tpu.vector_load %arg15[%swap3A_270] {strides = array<i32>} : memref<128xi32, #tpu.memory_space<vmem>>, vector<16xi32>,
      tpu.vector_store %arg15[%swap3A_270], %get3A_269 {strides = array<i32>} : memref<128xi32, #tpu.memory_space<vmem>>, vector<16xi32>,
      %get3A_272 = arith.constant 64 : index
      %get3A_273 = tpu.vector_load %arg13[%get3A_272] {strides = array<i32>} : memref<128xi32, #tpu.memory_space<vmem>>, vector<16xi32>,
      %swap3A_274 = arith.constant 64 : index
      %swap3A_275 = tpu.vector_load %arg15[%swap3A_274] {strides = array<i32>} : memref<128xi32, #tpu.memory_space<vmem>>, vector<16xi32>,
      tpu.vector_store %arg15[%swap3A_274], %get3A_273 {strides = array<i32>} : memref<128xi32, #tpu.memory_space<vmem>>, vector<16xi32>,
      %get3A_276 = arith.constant 80 : index
      %get3A_277 = tpu.vector_load %arg13[%get3A_276] {strides = array<i32>} : memref<128xi32, #tpu.memory_space<vmem>>, vector<16xi32>,
      %swap3A_278 = arith.constant 80 : index
      %swap3A_279 = tpu.vector_load %arg15[%swap3A_278] {strides = array<i32>} : memref<128xi32, #tpu.memory_space<vmem>>, vector<16xi32>,
      tpu.vector_store %arg15[%swap3A_278], %get3A_277 {strides = array<i32>} : memref<128xi32, #tpu.memory_space<vmem>>, vector<16xi32>,
      %get3A_280 = arith.constant 96 : index
      %get3A_281 = tpu.vector_load %arg13[%get3A_280] {strides = array<i32>} : memref<128xi32, #tpu.memory_space<vmem>>, vector<16xi32>,
      %swap3A_282 = arith.constant 96 : index
      %swap3A_283 = tpu.vector_load %arg15[%swap3A_282] {strides = array<i32>} : memref<128xi32, #tpu.memory_space<vmem>>, vector<16xi32>,
      tpu.vector_store %arg15[%swap3A_282], %get3A_281 {strides = array<i32>} : memref<128xi32, #tpu.memory_space<vmem>>, vector<16xi32>,
      %get3A_284 = arith.constant 112 : index
      %get3A_285 = tpu.vector_load %arg13[%get3A_284] {strides = array<i32>} : memref<128xi32, #tpu.memory_space<vmem>>, vector<16xi32>,
      %swap3A_286 = arith.constant 112 : index
      %swap3A_287 = tpu.vector_load %arg15[%swap3A_286] {strides = array<i32>} : memref<128xi32, #tpu.memory_space<vmem>>, vector<16xi32>,
      tpu.vector_store %arg15[%swap3A_286], %get3A_285 {strides = array<i32>} : memref<128xi32, #tpu.memory_space<vmem>>, vector<16xi32>,
      %dma_wait3A_288 = arith.constant 0 : i32
      %dma_wait3A_289 = arith.constant 0 : i32
      %dma_wait3A_290 = tpu.memref_slice %arg9[%dma_wait3A_288, %dma_wait3A_289] : memref<10000x128xf32, #tpu.memory_space<vmem_shared>> -> memref<10000x128xf32, #tpu.memory_space<vmem_shared>>
      tpu.wait_indirect_dma semaphore(%arg23 : memref<!tpu.dma_semaphore, #tpu.memory_space<semaphore_mem>>) src(%arg16 : memref<128x128xf32, #tpu.memory_space<vmem>>) dst(%dma_wait3A_290 : memref<10000x128xf32, #tpu.memory_space<vmem_shared>>)
      %dma_wait3A_291 = arith.constant 0 : i32
      %dma_wait3A_292 = tpu.memref_slice %arg4[%dma_wait3A_291] : memref<320000xi32, #tpu.memory_space<hbm>> -> memref<128xi32, #tpu.memory_space<hbm>>
      %dma_wait3A_293 = arith.constant 0 : i32
      %dma_wait3A_294 = tpu.memref_slice %arg4[%dma_wait3A_293] : memref<320000xi32, #tpu.memory_space<hbm>> -> memref<128xi32, #tpu.memory_space<hbm>>
      tpu.wait_dma2 semaphore(%arg21 : memref<!tpu.dma_semaphore, #tpu.memory_space<semaphore_mem>>) src(%dma_wait3A_294 : memref<128xi32, #tpu.memory_space<hbm>>) dst(%arg10 : memref<128xi32, #tpu.memory_space<vmem>>)
      %dma_wait3A_295 = arith.constant 0 : i32
      %dma_wait3A_296 = tpu.memref_slice %arg3[%dma_wait3A_295] : memref<320000xi32, #tpu.memory_space<hbm>> -> memref<128xi32, #tpu.memory_space<hbm>>
      %dma_wait3A_297 = arith.constant 0 : i32
      %dma_wait3A_298 = tpu.memref_slice %arg3[%dma_wait3A_297] : memref<320000xi32, #tpu.memory_space<hbm>> -> memref<128xi32, #tpu.memory_space<hbm>>
      tpu.wait_dma2 semaphore(%arg21 : memref<!tpu.dma_semaphore, #tpu.memory_space<semaphore_mem>>) src(%dma_wait3A_298 : memref<128xi32, #tpu.memory_space<hbm>>) dst(%arg12 : memref<128xi32, #tpu.memory_space<vmem>>)
      %dma_start3A_299 = arith.constant 0 : i32
      %dma_start3A_300 = arith.constant 0 : i32
      %dma_start3A_301 = tpu.memref_slice %arg2[%dma_start3A_299, %dma_start3A_300] : memref<10000x128xf32, #tpu.memory_space<hbm>> -> memref<10000x128xf32, #tpu.memory_space<hbm>>
      tpu.enqueue_indirect_dma source(%dma_start3A_301 : memref<10000x128xf32, #tpu.memory_space<hbm>>) target(%arg16 : memref<128x128xf32, #tpu.memory_space<vmem>>) offsets(%arg10 : memref<128xi32, #tpu.memory_space<vmem>>) semaphore(%arg19 : memref<!tpu.dma_semaphore, #tpu.memory_space<semaphore_mem>>)
      %dma_wait3A_302 = arith.constant 0 : i32
      %dma_wait3A_303 = arith.constant 0 : i32
      %dma_wait3A_304 = tpu.memref_slice %arg2[%dma_wait3A_302, %dma_wait3A_303] : memref<10000x128xf32, #tpu.memory_space<hbm>> -> memref<10000x128xf32, #tpu.memory_space<hbm>>
      tpu.wait_indirect_dma semaphore(%arg20 : memref<!tpu.dma_semaphore, #tpu.memory_space<semaphore_mem>>) src(%dma_wait3A_304 : memref<10000x128xf32, #tpu.memory_space<hbm>>) dst(%arg17 : memref<128x128xf32, #tpu.memory_space<vmem>>)
      %dma_start3A_305 = arith.constant 0 : i32
      %dma_start3A_306 = arith.constant 0 : i32
      %dma_start3A_307 = tpu.memref_slice %arg9[%dma_start3A_305, %dma_start3A_306] : memref<10000x128xf32, #tpu.memory_space<vmem_shared>> -> memref<10000x128xf32, #tpu.memory_space<vmem_shared>>
      tpu.enqueue_indirect_dma source(%arg17 : memref<128x128xf32, #tpu.memory_space<vmem>>) target(%dma_start3A_307 : memref<10000x128xf32, #tpu.memory_space<vmem_shared>>) offsets(%arg15 : memref<128xi32, #tpu.memory_space<vmem>>) semaphore(%arg24 : memref<!tpu.dma_semaphore, #tpu.memory_space<semaphore_mem>>) {add = true}
      %mul3A_308 = arith.constant 2 : i32
      %mul3A_309 = arith.muli %mul3A_308, %scan3A_190 : i32
      %add3A_310 = arith.constant 3 : i32
      %add3A_311 = arith.addi %mul3A_309, %add3A_310 : i32
      %mul3A_312 = arith.constant 78 : i32
      %mul3A_313 = arith.muli %add3A, %mul3A_312 : i32
      %add3A_314 = arith.addi %mul3A_313, %add3A_311 : i32
      %mul3A_315 = arith.constant 128 : i32
      %mul3A_316 = arith.muli %add3A_314, %mul3A_315 : i32
      %dma_start3A_317 = tpu.memref_slice %arg4[%mul3A_316] : memref<320000xi32, #tpu.memory_space<hbm>> -> memref<128xi32, #tpu.memory_space<hbm>>
      %dma_start3A_318 = tpu.memref_slice %arg4[%mul3A_316] : memref<320000xi32, #tpu.memory_space<hbm>> -> memref<128xi32, #tpu.memory_space<hbm>>
      tpu.enqueue_dma source(%dma_start3A_318 : memref<128xi32, #tpu.memory_space<hbm>>) target(%arg11 : memref<128xi32, #tpu.memory_space<vmem>>) target_semaphore(%arg22 : memref<!tpu.dma_semaphore, #tpu.memory_space<semaphore_mem>>)
      %dma_start3A_319 = tpu.memref_slice %arg3[%mul3A_316] : memref<320000xi32, #tpu.memory_space<hbm>> -> memref<128xi32, #tpu.memory_space<hbm>>
      %dma_start3A_320 = tpu.memref_slice %arg3[%mul3A_316] : memref<320000xi32, #tpu.memory_space<hbm>> -> memref<128xi32, #tpu.memory_space<hbm>>
      tpu.enqueue_dma source(%dma_start3A_320 : memref<128xi32, #tpu.memory_space<hbm>>) target(%arg13 : memref<128xi32, #tpu.memory_space<vmem>>) target_semaphore(%arg22 : memref<!tpu.dma_semaphore, #tpu.memory_space<semaphore_mem>>)
    }
    %scan3A_153 = arith.constant 38 : i32
    %dma_wait3A_154 = arith.constant 0 : i32
    %dma_wait3A_155 = arith.constant 0 : i32
    %dma_wait3A_156 = tpu.memref_slice %arg2[%dma_wait3A_154, %dma_wait3A_155] : memref<10000x128xf32, #tpu.memory_space<hbm>> -> memref<10000x128xf32, #tpu.memory_space<hbm>>
    tpu.wait_indirect_dma semaphore(%arg19 : memref<!tpu.dma_semaphore, #tpu.memory_space<semaphore_mem>>) src(%dma_wait3A_156 : memref<10000x128xf32, #tpu.memory_space<hbm>>) dst(%arg16 : memref<128x128xf32, #tpu.memory_space<vmem>>)
    %dma_wait3A_157 = arith.constant 0 : i32
    %dma_wait3A_158 = tpu.memref_slice %arg4[%dma_wait3A_157] : memref<320000xi32, #tpu.memory_space<hbm>> -> memref<128xi32, #tpu.memory_space<hbm>>
    %dma_wait3A_159 = arith.constant 0 : i32
    %dma_wait3A_160 = tpu.memref_slice %arg4[%dma_wait3A_159] : memref<320000xi32, #tpu.memory_space<hbm>> -> memref<128xi32, #tpu.memory_space<hbm>>
    tpu.wait_dma2 semaphore(%arg22 : memref<!tpu.dma_semaphore, #tpu.memory_space<semaphore_mem>>) src(%dma_wait3A_160 : memref<128xi32, #tpu.memory_space<hbm>>) dst(%arg11 : memref<128xi32, #tpu.memory_space<vmem>>)
    %dma_wait3A_161 = arith.constant 0 : i32
    %dma_wait3A_162 = tpu.memref_slice %arg3[%dma_wait3A_161] : memref<320000xi32, #tpu.memory_space<hbm>> -> memref<128xi32, #tpu.memory_space<hbm>>
    %dma_wait3A_163 = arith.constant 0 : i32
    %dma_wait3A_164 = tpu.memref_slice %arg3[%dma_wait3A_163] : memref<320000xi32, #tpu.memory_space<hbm>> -> memref<128xi32, #tpu.memory_space<hbm>>
    tpu.wait_dma2 semaphore(%arg22 : memref<!tpu.dma_semaphore, #tpu.memory_space<semaphore_mem>>) src(%dma_wait3A_164 : memref<128xi32, #tpu.memory_space<hbm>>) dst(%arg13 : memref<128xi32, #tpu.memory_space<vmem>>)
    %dma_wait3A_165 = arith.constant 0 : i32
    %dma_wait3A_166 = arith.constant 0 : i32
    %dma_wait3A_167 = tpu.memref_slice %arg9[%dma_wait3A_165, %dma_wait3A_166] : memref<10000x128xf32, #tpu.memory_space<vmem_shared>> -> memref<10000x128xf32, #tpu.memory_space<vmem_shared>>
    tpu.wait_indirect_dma semaphore(%arg24 : memref<!tpu.dma_semaphore, #tpu.memory_space<semaphore_mem>>) src(%arg17 : memref<128x128xf32, #tpu.memory_space<vmem>>) dst(%dma_wait3A_167 : memref<10000x128xf32, #tpu.memory_space<vmem_shared>>)
    %lt3A_168 = arith.constant 4 : i32
    %lt3A_169 = arith.cmpi slt, %add3A, %lt3A_168 : i32
    %convert_element_type3A_170 = arith.extui %lt3A_169 : i1 to i32
    %cond3A_171 = arith.constant 0 : i32
    %cond3A_172 = arith.cmpi ne, %convert_element_type3A_170, %cond3A_171 : i32
    scf.if %cond3A_172 {
      %add3A_190 = arith.constant 2496 : i32
      %add3A_191 = arith.addi %add3A_190, %add3A : i32
      %mul3A_192 = arith.constant 128 : i32
      %mul3A_193 = arith.muli %add3A_191, %mul3A_192 : i32
      "tpu.region"() ({
        %run_scoped3A = tpu.sem_alloc : memref<!tpu.dma_semaphore, #tpu.memory_space<semaphore_mem>>
        %dma_start3A_238 = tpu.memref_slice %arg4[%mul3A_193] : memref<320000xi32, #tpu.memory_space<hbm>> -> memref<128xi32, #tpu.memory_space<hbm>>
        %dma_start3A_239 = tpu.memref_slice %arg4[%mul3A_193] : memref<320000xi32, #tpu.memory_space<hbm>> -> memref<128xi32, #tpu.memory_space<hbm>>
        tpu.enqueue_dma source(%dma_start3A_239 : memref<128xi32, #tpu.memory_space<hbm>>) target(%arg10 : memref<128xi32, #tpu.memory_space<vmem>>) target_semaphore(%run_scoped3A : memref<!tpu.dma_semaphore, #tpu.memory_space<semaphore_mem>>)
        %dma_wait3A_240 = tpu.memref_slice %arg4[%mul3A_193] : memref<320000xi32, #tpu.memory_space<hbm>> -> memref<128xi32, #tpu.memory_space<hbm>>
        %dma_wait3A_241 = tpu.memref_slice %arg4[%mul3A_193] : memref<320000xi32, #tpu.memory_space<hbm>> -> memref<128xi32, #tpu.memory_space<hbm>>
        tpu.wait_dma2 semaphore(%run_scoped3A : memref<!tpu.dma_semaphore, #tpu.memory_space<semaphore_mem>>) src(%dma_wait3A_241 : memref<128xi32, #tpu.memory_space<hbm>>) dst(%arg10 : memref<128xi32, #tpu.memory_space<vmem>>)
        tpu.yield
      }) : () -> ()
      "tpu.region"() ({
        %run_scoped3A = tpu.sem_alloc : memref<!tpu.dma_semaphore, #tpu.memory_space<semaphore_mem>>
        %dma_start3A_238 = tpu.memref_slice %arg3[%mul3A_193] : memref<320000xi32, #tpu.memory_space<hbm>> -> memref<128xi32, #tpu.memory_space<hbm>>
        %dma_start3A_239 = tpu.memref_slice %arg3[%mul3A_193] : memref<320000xi32, #tpu.memory_space<hbm>> -> memref<128xi32, #tpu.memory_space<hbm>>
        tpu.enqueue_dma source(%dma_start3A_239 : memref<128xi32, #tpu.memory_space<hbm>>) target(%arg12 : memref<128xi32, #tpu.memory_space<vmem>>) target_semaphore(%run_scoped3A : memref<!tpu.dma_semaphore, #tpu.memory_space<semaphore_mem>>)
        %dma_wait3A_240 = tpu.memref_slice %arg3[%mul3A_193] : memref<320000xi32, #tpu.memory_space<hbm>> -> memref<128xi32, #tpu.memory_space<hbm>>
        %dma_wait3A_241 = tpu.memref_slice %arg3[%mul3A_193] : memref<320000xi32, #tpu.memory_space<hbm>> -> memref<128xi32, #tpu.memory_space<hbm>>
        tpu.wait_dma2 semaphore(%run_scoped3A : memref<!tpu.dma_semaphore, #tpu.memory_space<semaphore_mem>>) src(%dma_wait3A_241 : memref<128xi32, #tpu.memory_space<hbm>>) dst(%arg12 : memref<128xi32, #tpu.memory_space<vmem>>)
        tpu.yield
      }) : () -> ()
      %dma_start3A_194 = arith.constant 0 : i32
      %dma_start3A_195 = arith.constant 0 : i32
      %dma_start3A_196 = tpu.memref_slice %arg2[%dma_start3A_194, %dma_start3A_195] : memref<10000x128xf32, #tpu.memory_space<hbm>> -> memref<10000x128xf32, #tpu.memory_space<hbm>>
      tpu.enqueue_indirect_dma source(%dma_start3A_196 : memref<10000x128xf32, #tpu.memory_space<hbm>>) target(%arg16 : memref<128x128xf32, #tpu.memory_space<vmem>>) offsets(%arg10 : memref<128xi32, #tpu.memory_space<vmem>>) semaphore(%arg19 : memref<!tpu.dma_semaphore, #tpu.memory_space<semaphore_mem>>)
      %get3A_197 = arith.constant 0 : index
      %get3A_198 = tpu.vector_load %arg12[%get3A_197] {strides = array<i32>} : memref<128xi32, #tpu.memory_space<vmem>>, vector<16xi32>,
      %swap3A_199 = arith.constant 0 : index
      %swap3A_200 = tpu.vector_load %arg14[%swap3A_199] {strides = array<i32>} : memref<128xi32, #tpu.memory_space<vmem>>, vector<16xi32>,
      tpu.vector_store %arg14[%swap3A_199], %get3A_198 {strides = array<i32>} : memref<128xi32, #tpu.memory_space<vmem>>, vector<16xi32>,
      %get3A_201 = arith.constant 16 : index
      %get3A_202 = tpu.vector_load %arg12[%get3A_201] {strides = array<i32>} : memref<128xi32, #tpu.memory_space<vmem>>, vector<16xi32>,
      %swap3A_203 = arith.constant 16 : index
      %swap3A_204 = tpu.vector_load %arg14[%swap3A_203] {strides = array<i32>} : memref<128xi32, #tpu.memory_space<vmem>>, vector<16xi32>,
      tpu.vector_store %arg14[%swap3A_203], %get3A_202 {strides = array<i32>} : memref<128xi32, #tpu.memory_space<vmem>>, vector<16xi32>,
      %get3A_205 = arith.constant 32 : index
      %get3A_206 = tpu.vector_load %arg12[%get3A_205] {strides = array<i32>} : memref<128xi32, #tpu.memory_space<vmem>>, vector<16xi32>,
      %swap3A_207 = arith.constant 32 : index
      %swap3A_208 = tpu.vector_load %arg14[%swap3A_207] {strides = array<i32>} : memref<128xi32, #tpu.memory_space<vmem>>, vector<16xi32>,
      tpu.vector_store %arg14[%swap3A_207], %get3A_206 {strides = array<i32>} : memref<128xi32, #tpu.memory_space<vmem>>, vector<16xi32>,
      %get3A_209 = arith.constant 48 : index
      %get3A_210 = tpu.vector_load %arg12[%get3A_209] {strides = array<i32>} : memref<128xi32, #tpu.memory_space<vmem>>, vector<16xi32>,
      %swap3A_211 = arith.constant 48 : index
      %swap3A_212 = tpu.vector_load %arg14[%swap3A_211] {strides = array<i32>} : memref<128xi32, #tpu.memory_space<vmem>>, vector<16xi32>,
      tpu.vector_store %arg14[%swap3A_211], %get3A_210 {strides = array<i32>} : memref<128xi32, #tpu.memory_space<vmem>>, vector<16xi32>,
      %get3A_213 = arith.constant 64 : index
      %get3A_214 = tpu.vector_load %arg12[%get3A_213] {strides = array<i32>} : memref<128xi32, #tpu.memory_space<vmem>>, vector<16xi32>,
      %swap3A_215 = arith.constant 64 : index
      %swap3A_216 = tpu.vector_load %arg14[%swap3A_215] {strides = array<i32>} : memref<128xi32, #tpu.memory_space<vmem>>, vector<16xi32>,
      tpu.vector_store %arg14[%swap3A_215], %get3A_214 {strides = array<i32>} : memref<128xi32, #tpu.memory_space<vmem>>, vector<16xi32>,
      %get3A_217 = arith.constant 80 : index
      %get3A_218 = tpu.vector_load %arg12[%get3A_217] {strides = array<i32>} : memref<128xi32, #tpu.memory_space<vmem>>, vector<16xi32>,
      %swap3A_219 = arith.constant 80 : index
      %swap3A_220 = tpu.vector_load %arg14[%swap3A_219] {strides = array<i32>} : memref<128xi32, #tpu.memory_space<vmem>>, vector<16xi32>,
      tpu.vector_store %arg14[%swap3A_219], %get3A_218 {strides = array<i32>} : memref<128xi32, #tpu.memory_space<vmem>>, vector<16xi32>,
      %get3A_221 = arith.constant 96 : index
      %get3A_222 = tpu.vector_load %arg12[%get3A_221] {strides = array<i32>} : memref<128xi32, #tpu.memory_space<vmem>>, vector<16xi32>,
      %swap3A_223 = arith.constant 96 : index
      %swap3A_224 = tpu.vector_load %arg14[%swap3A_223] {strides = array<i32>} : memref<128xi32, #tpu.memory_space<vmem>>, vector<16xi32>,
      tpu.vector_store %arg14[%swap3A_223], %get3A_222 {strides = array<i32>} : memref<128xi32, #tpu.memory_space<vmem>>, vector<16xi32>,
      %get3A_225 = arith.constant 112 : index
      %get3A_226 = tpu.vector_load %arg12[%get3A_225] {strides = array<i32>} : memref<128xi32, #tpu.memory_space<vmem>>, vector<16xi32>,
      %swap3A_227 = arith.constant 112 : index
      %swap3A_228 = tpu.vector_load %arg14[%swap3A_227] {strides = array<i32>} : memref<128xi32, #tpu.memory_space<vmem>>, vector<16xi32>,
      tpu.vector_store %arg14[%swap3A_227], %get3A_226 {strides = array<i32>} : memref<128xi32, #tpu.memory_space<vmem>>, vector<16xi32>,
      %dma_wait3A_229 = arith.constant 0 : i32
      %dma_wait3A_230 = arith.constant 0 : i32
      %dma_wait3A_231 = tpu.memref_slice %arg2[%dma_wait3A_229, %dma_wait3A_230] : memref<10000x128xf32, #tpu.memory_space<hbm>> -> memref<10000x128xf32, #tpu.memory_space<hbm>>
      tpu.wait_indirect_dma semaphore(%arg19 : memref<!tpu.dma_semaphore, #tpu.memory_space<semaphore_mem>>) src(%dma_wait3A_231 : memref<10000x128xf32, #tpu.memory_space<hbm>>) dst(%arg16 : memref<128x128xf32, #tpu.memory_space<vmem>>)
      %dma_start3A_232 = arith.constant 0 : i32
      %dma_start3A_233 = arith.constant 0 : i32
      %dma_start3A_234 = tpu.memref_slice %arg9[%dma_start3A_232, %dma_start3A_233] : memref<10000x128xf32, #tpu.memory_space<vmem_shared>> -> memref<10000x128xf32, #tpu.memory_space<vmem_shared>>
      tpu.enqueue_indirect_dma source(%arg16 : memref<128x128xf32, #tpu.memory_space<vmem>>) target(%dma_start3A_234 : memref<10000x128xf32, #tpu.memory_space<vmem_shared>>) offsets(%arg14 : memref<128xi32, #tpu.memory_space<vmem>>) semaphore(%arg23 : memref<!tpu.dma_semaphore, #tpu.memory_space<semaphore_mem>>) {add = true}
      %dma_wait3A_235 = arith.constant 0 : i32
      %dma_wait3A_236 = arith.constant 0 : i32
      %dma_wait3A_237 = tpu.memref_slice %arg9[%dma_wait3A_235, %dma_wait3A_236] : memref<10000x128xf32, #tpu.memory_space<vmem_shared>> -> memref<10000x128xf32, #tpu.memory_space<vmem_shared>>
      tpu.wait_indirect_dma semaphore(%arg23 : memref<!tpu.dma_semaphore, #tpu.memory_space<semaphore_mem>>) src(%arg16 : memref<128x128xf32, #tpu.memory_space<vmem>>) dst(%dma_wait3A_237 : memref<10000x128xf32, #tpu.memory_space<vmem_shared>>)
    } else {
    }
    %barrier3A_173 = arith.constant 0 : index
    tpu.barrier barrier_id(%barrier3A_173)
    %scan3A_174 = arith.constant 0 : i32
    %scan3A_175 = arith.constant 0 : i32
    %scan3A_176 = arith.constant 4 : i32
    %scan3A_177 = arith.addi %scan3A_175, %scan3A_176 : i32
    %scan3A_178 = arith.constant 1 : i32
    scf.for %scan3A_190 = %scan3A_175 to %scan3A_177 step %scan3A_178  : i32 {
      %mul3A_191 = arith.constant 16 : i32
      %mul3A_192 = arith.muli %scan3A_190, %mul3A_191 : i32
      %add3A_193 = arith.addi %arg1, %mul3A_192 : i32
      %mul3A_194 = arith.constant 128 : i32
      %mul3A_195 = arith.muli %add3A_193, %mul3A_194 : i32
      "tpu.region"() ({
        %run_scoped3A = tpu.sem_alloc : memref<!tpu.dma_semaphore, #tpu.memory_space<semaphore_mem>>
        %dma_start3A_196 = arith.constant 0 : i32
        %dma_start3A_197 = tpu.memref_slice %arg9[%mul3A_195, %dma_start3A_196] : memref<10000x128xf32, #tpu.memory_space<vmem_shared>> -> memref<128x128xf32, #tpu.memory_space<vmem_shared>>
        %dma_start3A_198 = arith.constant 0 : i32
        %dma_start3A_199 = tpu.memref_slice %arg9[%mul3A_195, %dma_start3A_198] : memref<10000x128xf32, #tpu.memory_space<vmem_shared>> -> memref<128x128xf32, #tpu.memory_space<vmem_shared>>
        tpu.enqueue_dma source(%dma_start3A_199 : memref<128x128xf32, #tpu.memory_space<vmem_shared>>) target(%arg16 : memref<128x128xf32, #tpu.memory_space<vmem>>) target_semaphore(%run_scoped3A : memref<!tpu.dma_semaphore, #tpu.memory_space<semaphore_mem>>)
        %dma_wait3A_200 = arith.constant 0 : i32
        %dma_wait3A_201 = tpu.memref_slice %arg9[%mul3A_195, %dma_wait3A_200] : memref<10000x128xf32, #tpu.memory_space<vmem_shared>> -> memref<128x128xf32, #tpu.memory_space<vmem_shared>>
        %dma_wait3A_202 = arith.constant 0 : i32
        %dma_wait3A_203 = tpu.memref_slice %arg9[%mul3A_195, %dma_wait3A_202] : memref<10000x128xf32, #tpu.memory_space<vmem_shared>> -> memref<128x128xf32, #tpu.memory_space<vmem_shared>>
        tpu.wait_dma2 semaphore(%run_scoped3A : memref<!tpu.dma_semaphore, #tpu.memory_space<semaphore_mem>>) src(%dma_wait3A_203 : memref<128x128xf32, #tpu.memory_space<vmem_shared>>) dst(%arg16 : memref<128x128xf32, #tpu.memory_space<vmem>>)
        tpu.yield
      }) : () -> ()
      "tpu.region"() ({
        %run_scoped3A = tpu.sem_alloc : memref<!tpu.dma_semaphore, #tpu.memory_space<semaphore_mem>>
        %dma_start3A_196 = arith.constant 0 : i32
        %dma_start3A_197 = tpu.memref_slice %arg7[%arg0, %mul3A_195, %dma_start3A_196] : memref<2x10000x128xf32, #tpu.memory_space<hbm>> -> memref<1x128x128xf32, #tpu.memory_space<hbm>>
        %dma_start3A_198 = tpu.memref_squeeze %dma_start3A_197 : memref<1x128x128xf32, #tpu.memory_space<hbm>> -> memref<128x128xf32, #tpu.memory_space<hbm>>
        %dma_start3A_199 = arith.constant 0 : i32
        %dma_start3A_200 = tpu.memref_slice %arg7[%arg0, %mul3A_195, %dma_start3A_199] : memref<2x10000x128xf32, #tpu.memory_space<hbm>> -> memref<1x128x128xf32, #tpu.memory_space<hbm>>
        %dma_start3A_201 = tpu.memref_squeeze %dma_start3A_200 : memref<1x128x128xf32, #tpu.memory_space<hbm>> -> memref<128x128xf32, #tpu.memory_space<hbm>>
        tpu.enqueue_dma source(%arg16 : memref<128x128xf32, #tpu.memory_space<vmem>>) target(%dma_start3A_201 : memref<128x128xf32, #tpu.memory_space<hbm>>) target_semaphore(%run_scoped3A : memref<!tpu.dma_semaphore, #tpu.memory_space<semaphore_mem>>)
        %dma_wait3A_202 = arith.constant 0 : i32
        %dma_wait3A_203 = tpu.memref_slice %arg7[%arg0, %mul3A_195, %dma_wait3A_202] : memref<2x10000x128xf32, #tpu.memory_space<hbm>> -> memref<1x128x128xf32, #tpu.memory_space<hbm>>
        %dma_wait3A_204 = tpu.memref_squeeze %dma_wait3A_203 : memref<1x128x128xf32, #tpu.memory_space<hbm>> -> memref<128x128xf32, #tpu.memory_space<hbm>>
        %dma_wait3A_205 = arith.constant 0 : i32
        %dma_wait3A_206 = tpu.memref_slice %arg7[%arg0, %mul3A_195, %dma_wait3A_205] : memref<2x10000x128xf32, #tpu.memory_space<hbm>> -> memref<1x128x128xf32, #tpu.memory_space<hbm>>
        %dma_wait3A_207 = tpu.memref_squeeze %dma_wait3A_206 : memref<1x128x128xf32, #tpu.memory_space<hbm>> -> memref<128x128xf32, #tpu.memory_space<hbm>>
        tpu.wait_dma2 semaphore(%run_scoped3A : memref<!tpu.dma_semaphore, #tpu.memory_space<semaphore_mem>>) src(%arg16 : memref<128x128xf32, #tpu.memory_space<vmem>>) dst(%dma_wait3A_207 : memref<128x128xf32, #tpu.memory_space<hbm>>)
        tpu.yield
      }) : () -> ()
    }
    %scan3A_179 = arith.constant 4 : i32
    %lt3A_180 = arith.constant 14 : i32
    %lt3A_181 = arith.cmpi slt, %arg1, %lt3A_180 : i32
    %convert_element_type3A_182 = arith.extui %lt3A_181 : i1 to i32
    %cond3A_183 = arith.constant 0 : i32
    %cond3A_184 = arith.cmpi ne, %convert_element_type3A_182, %cond3A_183 : i32
    scf.if %cond3A_184 {
      %add3A_190 = arith.constant 64 : i32
      %add3A_191 = arith.addi %add3A_190, %arg1 : i32
      %mul3A_192 = arith.constant 128 : i32
      %mul3A_193 = arith.muli %add3A_191, %mul3A_192 : i32
      "tpu.region"() ({
        %run_scoped3A = tpu.sem_alloc : memref<!tpu.dma_semaphore, #tpu.memory_space<semaphore_mem>>
        %dma_start3A_194 = arith.constant 0 : i32
        %dma_start3A_195 = tpu.memref_slice %arg9[%mul3A_193, %dma_start3A_194] : memref<10000x128xf32, #tpu.memory_space<vmem_shared>> -> memref<128x128xf32, #tpu.memory_space<vmem_shared>>
        %dma_start3A_196 = arith.constant 0 : i32
        %dma_start3A_197 = tpu.memref_slice %arg9[%mul3A_193, %dma_start3A_196] : memref<10000x128xf32, #tpu.memory_space<vmem_shared>> -> memref<128x128xf32, #tpu.memory_space<vmem_shared>>
        tpu.enqueue_dma source(%dma_start3A_197 : memref<128x128xf32, #tpu.memory_space<vmem_shared>>) target(%arg16 : memref<128x128xf32, #tpu.memory_space<vmem>>) target_semaphore(%run_scoped3A : memref<!tpu.dma_semaphore, #tpu.memory_space<semaphore_mem>>)
        %dma_wait3A_198 = arith.constant 0 : i32
        %dma_wait3A_199 = tpu.memref_slice %arg9[%mul3A_193, %dma_wait3A_198] : memref<10000x128xf32, #tpu.memory_space<vmem_shared>> -> memref<128x128xf32, #tpu.memory_space<vmem_shared>>
        %dma_wait3A_200 = arith.constant 0 : i32
        %dma_wait3A_201 = tpu.memref_slice %arg9[%mul3A_193, %dma_wait3A_200] : memref<10000x128xf32, #tpu.memory_space<vmem_shared>> -> memref<128x128xf32, #tpu.memory_space<vmem_shared>>
        tpu.wait_dma2 semaphore(%run_scoped3A : memref<!tpu.dma_semaphore, #tpu.memory_space<semaphore_mem>>) src(%dma_wait3A_201 : memref<128x128xf32, #tpu.memory_space<vmem_shared>>) dst(%arg16 : memref<128x128xf32, #tpu.memory_space<vmem>>)
        tpu.yield
      }) : () -> ()
      "tpu.region"() ({
        %run_scoped3A = tpu.sem_alloc : memref<!tpu.dma_semaphore, #tpu.memory_space<semaphore_mem>>
        %dma_start3A_194 = arith.constant 0 : i32
        %dma_start3A_195 = tpu.memref_slice %arg7[%arg0, %mul3A_193, %dma_start3A_194] : memref<2x10000x128xf32, #tpu.memory_space<hbm>> -> memref<1x128x128xf32, #tpu.memory_space<hbm>>
        %dma_start3A_196 = tpu.memref_squeeze %dma_start3A_195 : memref<1x128x128xf32, #tpu.memory_space<hbm>> -> memref<128x128xf32, #tpu.memory_space<hbm>>
        %dma_start3A_197 = arith.constant 0 : i32
        %dma_start3A_198 = tpu.memref_slice %arg7[%arg0, %mul3A_193, %dma_start3A_197] : memref<2x10000x128xf32, #tpu.memory_space<hbm>> -> memref<1x128x128xf32, #tpu.memory_space<hbm>>
        %dma_start3A_199 = tpu.memref_squeeze %dma_start3A_198 : memref<1x128x128xf32, #tpu.memory_space<hbm>> -> memref<128x128xf32, #tpu.memory_space<hbm>>
        tpu.enqueue_dma source(%arg16 : memref<128x128xf32, #tpu.memory_space<vmem>>) target(%dma_start3A_199 : memref<128x128xf32, #tpu.memory_space<hbm>>) target_semaphore(%run_scoped3A : memref<!tpu.dma_semaphore, #tpu.memory_space<semaphore_mem>>)
        %dma_wait3A_200 = arith.constant 0 : i32
        %dma_wait3A_201 = tpu.memref_slice %arg7[%arg0, %mul3A_193, %dma_wait3A_200] : memref<2x10000x128xf32, #tpu.memory_space<hbm>> -> memref<1x128x128xf32, #tpu.memory_space<hbm>>
        %dma_wait3A_202 = tpu.memref_squeeze %dma_wait3A_201 : memref<1x128x128xf32, #tpu.memory_space<hbm>> -> memref<128x128xf32, #tpu.memory_space<hbm>>
        %dma_wait3A_203 = arith.constant 0 : i32
        %dma_wait3A_204 = tpu.memref_slice %arg7[%arg0, %mul3A_193, %dma_wait3A_203] : memref<2x10000x128xf32, #tpu.memory_space<hbm>> -> memref<1x128x128xf32, #tpu.memory_space<hbm>>
        %dma_wait3A_205 = tpu.memref_squeeze %dma_wait3A_204 : memref<1x128x128xf32, #tpu.memory_space<hbm>> -> memref<128x128xf32, #tpu.memory_space<hbm>>
        tpu.wait_dma2 semaphore(%run_scoped3A : memref<!tpu.dma_semaphore, #tpu.memory_space<semaphore_mem>>) src(%arg16 : memref<128x128xf32, #tpu.memory_space<vmem>>) dst(%dma_wait3A_205 : memref<128x128xf32, #tpu.memory_space<hbm>>)
        tpu.yield
      }) : () -> ()
    } else {
    }
    %eq3A_185 = arith.constant 15 : i32
    %eq3A_186 = arith.cmpi eq, %arg1, %eq3A_185 : i32
    %convert_element_type3A_187 = arith.extui %eq3A_186 : i1 to i32
    %cond3A_188 = arith.constant 0 : i32
    %cond3A_189 = arith.cmpi ne, %convert_element_type3A_187, %cond3A_188 : i32
    scf.if %cond3A_189 {
      "tpu.region"() ({
        %run_scoped3A = tpu.sem_alloc : memref<!tpu.dma_semaphore, #tpu.memory_space<semaphore_mem>>
        %dma_start3A_190 = arith.constant 0 : i32
        %dma_start3A_191 = arith.constant 0 : i32
        %dma_start3A_192 = tpu.memref_slice %arg16[%dma_start3A_190, %dma_start3A_191] : memref<128x128xf32, #tpu.memory_space<vmem>> -> memref<16x128xf32, #tpu.memory_space<vmem>>
        %dma_start3A_193 = arith.constant 9984 : i32
        %dma_start3A_194 = arith.constant 0 : i32
        %dma_start3A_195 = tpu.memref_slice %arg9[%dma_start3A_193, %dma_start3A_194] : memref<10000x128xf32, #tpu.memory_space<vmem_shared>> -> memref<16x128xf32, #tpu.memory_space<vmem_shared>>
        %dma_start3A_196 = arith.constant 0 : i32
        %dma_start3A_197 = arith.constant 0 : i32
        %dma_start3A_198 = tpu.memref_slice %arg16[%dma_start3A_196, %dma_start3A_197] : memref<128x128xf32, #tpu.memory_space<vmem>> -> memref<16x128xf32, #tpu.memory_space<vmem>>
        %dma_start3A_199 = arith.constant 9984 : i32
        %dma_start3A_200 = arith.constant 0 : i32
        %dma_start3A_201 = tpu.memref_slice %arg9[%dma_start3A_199, %dma_start3A_200] : memref<10000x128xf32, #tpu.memory_space<vmem_shared>> -> memref<16x128xf32, #tpu.memory_space<vmem_shared>>
        tpu.enqueue_dma source(%dma_start3A_201 : memref<16x128xf32, #tpu.memory_space<vmem_shared>>) target(%dma_start3A_198 : memref<16x128xf32, #tpu.memory_space<vmem>>) target_semaphore(%run_scoped3A : memref<!tpu.dma_semaphore, #tpu.memory_space<semaphore_mem>>)
        %dma_wait3A_202 = arith.constant 0 : i32
        %dma_wait3A_203 = arith.constant 0 : i32
        %dma_wait3A_204 = tpu.memref_slice %arg16[%dma_wait3A_202, %dma_wait3A_203] : memref<128x128xf32, #tpu.memory_space<vmem>> -> memref<16x128xf32, #tpu.memory_space<vmem>>
        %dma_wait3A_205 = arith.constant 9984 : i32
        %dma_wait3A_206 = arith.constant 0 : i32
        %dma_wait3A_207 = tpu.memref_slice %arg9[%dma_wait3A_205, %dma_wait3A_206] : memref<10000x128xf32, #tpu.memory_space<vmem_shared>> -> memref<16x128xf32, #tpu.memory_space<vmem_shared>>
        %dma_wait3A_208 = arith.constant 0 : i32
        %dma_wait3A_209 = arith.constant 0 : i32
        %dma_wait3A_210 = tpu.memref_slice %arg16[%dma_wait3A_208, %dma_wait3A_209] : memref<128x128xf32, #tpu.memory_space<vmem>> -> memref<16x128xf32, #tpu.memory_space<vmem>>
        %dma_wait3A_211 = arith.constant 9984 : i32
        %dma_wait3A_212 = arith.constant 0 : i32
        %dma_wait3A_213 = tpu.memref_slice %arg9[%dma_wait3A_211, %dma_wait3A_212] : memref<10000x128xf32, #tpu.memory_space<vmem_shared>> -> memref<16x128xf32, #tpu.memory_space<vmem_shared>>
        tpu.wait_dma2 semaphore(%run_scoped3A : memref<!tpu.dma_semaphore, #tpu.memory_space<semaphore_mem>>) src(%dma_wait3A_213 : memref<16x128xf32, #tpu.memory_space<vmem_shared>>) dst(%dma_wait3A_210 : memref<16x128xf32, #tpu.memory_space<vmem>>)
        tpu.yield
      }) : () -> ()
      "tpu.region"() ({
        %run_scoped3A = tpu.sem_alloc : memref<!tpu.dma_semaphore, #tpu.memory_space<semaphore_mem>>
        %dma_start3A_190 = arith.constant 0 : i32
        %dma_start3A_191 = arith.constant 0 : i32
        %dma_start3A_192 = tpu.memref_slice %arg16[%dma_start3A_190, %dma_start3A_191] : memref<128x128xf32, #tpu.memory_space<vmem>> -> memref<16x128xf32, #tpu.memory_space<vmem>>
        %dma_start3A_193 = arith.constant 9984 : i32
        %dma_start3A_194 = arith.constant 0 : i32
        %dma_start3A_195 = tpu.memref_slice %arg7[%arg0, %dma_start3A_193, %dma_start3A_194] : memref<2x10000x128xf32, #tpu.memory_space<hbm>> -> memref<1x16x128xf32, #tpu.memory_space<hbm>>
        %dma_start3A_196 = tpu.memref_squeeze %dma_start3A_195 : memref<1x16x128xf32, #tpu.memory_space<hbm>> -> memref<16x128xf32, #tpu.memory_space<hbm>>
        %dma_start3A_197 = arith.constant 9984 : i32
        %dma_start3A_198 = arith.constant 0 : i32
        %dma_start3A_199 = tpu.memref_slice %arg7[%arg0, %dma_start3A_197, %dma_start3A_198] : memref<2x10000x128xf32, #tpu.memory_space<hbm>> -> memref<1x16x128xf32, #tpu.memory_space<hbm>>
        %dma_start3A_200 = tpu.memref_squeeze %dma_start3A_199 : memref<1x16x128xf32, #tpu.memory_space<hbm>> -> memref<16x128xf32, #tpu.memory_space<hbm>>
        %dma_start3A_201 = arith.constant 0 : i32
        %dma_start3A_202 = arith.constant 0 : i32
        %dma_start3A_203 = tpu.memref_slice %arg16[%dma_start3A_201, %dma_start3A_202] : memref<128x128xf32, #tpu.memory_space<vmem>> -> memref<16x128xf32, #tpu.memory_space<vmem>>
        tpu.enqueue_dma source(%dma_start3A_203 : memref<16x128xf32, #tpu.memory_space<vmem>>) target(%dma_start3A_200 : memref<16x128xf32, #tpu.memory_space<hbm>>) target_semaphore(%run_scoped3A : memref<!tpu.dma_semaphore, #tpu.memory_space<semaphore_mem>>)
        %dma_wait3A_204 = arith.constant 0 : i32
        %dma_wait3A_205 = arith.constant 0 : i32
        %dma_wait3A_206 = tpu.memref_slice %arg16[%dma_wait3A_204, %dma_wait3A_205] : memref<128x128xf32, #tpu.memory_space<vmem>> -> memref<16x128xf32, #tpu.memory_space<vmem>>
        %dma_wait3A_207 = arith.constant 9984 : i32
        %dma_wait3A_208 = arith.constant 0 : i32
        %dma_wait3A_209 = tpu.memref_slice %arg7[%arg0, %dma_wait3A_207, %dma_wait3A_208] : memref<2x10000x128xf32, #tpu.memory_space<hbm>> -> memref<1x16x128xf32, #tpu.memory_space<hbm>>
        %dma_wait3A_210 = tpu.memref_squeeze %dma_wait3A_209 : memref<1x16x128xf32, #tpu.memory_space<hbm>> -> memref<16x128xf32, #tpu.memory_space<hbm>>
        %dma_wait3A_211 = arith.constant 9984 : i32
        %dma_wait3A_212 = arith.constant 0 : i32
        %dma_wait3A_213 = tpu.memref_slice %arg7[%arg0, %dma_wait3A_211, %dma_wait3A_212] : memref<2x10000x128xf32, #tpu.memory_space<hbm>> -> memref<1x16x128xf32, #tpu.memory_space<hbm>>
        %dma_wait3A_214 = tpu.memref_squeeze %dma_wait3A_213 : memref<1x16x128xf32, #tpu.memory_space<hbm>> -> memref<16x128xf32, #tpu.memory_space<hbm>>
        %dma_wait3A_215 = arith.constant 0 : i32
        %dma_wait3A_216 = arith.constant 0 : i32
        %dma_wait3A_217 = tpu.memref_slice %arg16[%dma_wait3A_215, %dma_wait3A_216] : memref<128x128xf32, #tpu.memory_space<vmem>> -> memref<16x128xf32, #tpu.memory_space<vmem>>
        tpu.wait_dma2 semaphore(%run_scoped3A : memref<!tpu.dma_semaphore, #tpu.memory_space<semaphore_mem>>) src(%dma_wait3A_217 : memref<16x128xf32, #tpu.memory_space<vmem>>) dst(%dma_wait3A_214 : memref<16x128xf32, #tpu.memory_space<hbm>>)
        tpu.yield
      }) : () -> ()
    } else {
    }
    "tpu.region"() ({
      %run_scoped3A = tpu.sem_alloc : memref<!tpu.dma_semaphore, #tpu.memory_space<semaphore_mem>>
      %dma_start3A_190 = arith.constant 0 : i32
      %dma_start3A_191 = tpu.memref_slice %arg8[%arg0, %arg1, %dma_start3A_190] : memref<2x16x10000xf32, #tpu.memory_space<hbm>> -> memref<1x1x10000xf32, #tpu.memory_space<hbm>>
      %dma_start3A_192 = tpu.memref_squeeze %dma_start3A_191 : memref<1x1x10000xf32, #tpu.memory_space<hbm>> -> memref<10000xf32, #tpu.memory_space<hbm>>
      %dma_start3A_193 = arith.constant 0 : i32
      %dma_start3A_194 = tpu.memref_slice %arg8[%arg0, %arg1, %dma_start3A_193] : memref<2x16x10000xf32, #tpu.memory_space<hbm>> -> memref<1x1x10000xf32, #tpu.memory_space<hbm>>
      %dma_start3A_195 = tpu.memref_squeeze %dma_start3A_194 : memref<1x1x10000xf32, #tpu.memory_space<hbm>> -> memref<10000xf32, #tpu.memory_space<hbm>>
      tpu.enqueue_dma source(%arg18 : memref<10000xf32, #tpu.memory_space<vmem>>) target(%dma_start3A_195 : memref<10000xf32, #tpu.memory_space<hbm>>) target_semaphore(%run_scoped3A : memref<!tpu.dma_semaphore, #tpu.memory_space<semaphore_mem>>)
      %dma_wait3A_196 = arith.constant 0 : i32
      %dma_wait3A_197 = tpu.memref_slice %arg8[%arg0, %arg1, %dma_wait3A_196] : memref<2x16x10000xf32, #tpu.memory_space<hbm>> -> memref<1x1x10000xf32, #tpu.memory_space<hbm>>
      %dma_wait3A_198 = tpu.memref_squeeze %dma_wait3A_197 : memref<1x1x10000xf32, #tpu.memory_space<hbm>> -> memref<10000xf32, #tpu.memory_space<hbm>>
      %dma_wait3A_199 = arith.constant 0 : i32
      %dma_wait3A_200 = tpu.memref_slice %arg8[%arg0, %arg1, %dma_wait3A_199] : memref<2x16x10000xf32, #tpu.memory_space<hbm>> -> memref<1x1x10000xf32, #tpu.memory_space<hbm>>
      %dma_wait3A_201 = tpu.memref_squeeze %dma_wait3A_200 : memref<1x1x10000xf32, #tpu.memory_space<hbm>> -> memref<10000xf32, #tpu.memory_space<hbm>>
      tpu.wait_dma2 semaphore(%run_scoped3A : memref<!tpu.dma_semaphore, #tpu.memory_space<semaphore_mem>>) src(%arg18 : memref<10000xf32, #tpu.memory_space<vmem>>) dst(%dma_wait3A_201 : memref<10000xf32, #tpu.memory_space<hbm>>)
      tpu.yield
    }) : () -> ()
    return
  }
}

module attributes {stable_mosaic.version = 14 : i64} {
  func.func @_matmul_body(%arg0: memref<128x10000xf32, #tpu.memory_space<vmem>>, %arg1: memref<128x128xf32, #tpu.memory_space<vmem>>, %arg2: memref<128x128xf32, #tpu.memory_space<vmem>>, %arg3: memref<10000x128xf32, #tpu.memory_space<vmem>>, %arg4: memref<10000x128xf32, #tpu.memory_space<vmem>>) attributes {dimension_semantics = [], scalar_prefetch = 0 : i64, scratch_operands = 0 : i64, tpu.core_type = #tpu.core_type<tc>} {
    %get3A = arith.constant 0 : index
    %get3A_0 = arith.constant 0 : index
    %get3A_1 = vector.load %arg0[%get3A, %get3A_0] : memref<128x10000xf32, #tpu.memory_space<vmem>>, vector<128x10000xf32>
    %get3A_2 = arith.constant 0 : index
    %get3A_3 = arith.constant 0 : index
    %get3A_4 = vector.load %arg1[%get3A_2, %get3A_3] : memref<128x128xf32, #tpu.memory_space<vmem>>, vector<128x128xf32>
    %dot_general3A = arith.constant dense<0.000000e+00> : vector<10000x128xf32>
    %dot_general3A_5 = tpu.matmul %get3A_1, %get3A_4, %dot_general3A {dimension_numbers = #tpu.dot_dimension_numbers<[0], [0], [1], [1], [0, 1, 1, 1], [], []>, transpose_lhs_hint = false} : vector<128x10000xf32>, vector<128x128xf32>, vector<10000x128xf32> -> vector<10000x128xf32>
    %swap3A = arith.constant 0 : index
    %swap3A_6 = arith.constant 0 : index
    %swap3A_7 = vector.load %arg3[%swap3A, %swap3A_6] : memref<10000x128xf32, #tpu.memory_space<vmem>>, vector<10000x128xf32>
    tpu.vector_store %arg3[%swap3A, %swap3A_6], %dot_general3A_5 {strides = array<i32>} : memref<10000x128xf32, #tpu.memory_space<vmem>>, vector<10000x128xf32>,
    %get3A_8 = arith.constant 0 : index
    %get3A_9 = arith.constant 0 : index
    %get3A_10 = vector.load %arg2[%get3A_8, %get3A_9] : memref<128x128xf32, #tpu.memory_space<vmem>>, vector<128x128xf32>
    %dot_general3A_11 = arith.constant dense<0.000000e+00> : vector<10000x128xf32>
    %dot_general3A_12 = tpu.matmul %get3A_1, %get3A_10, %dot_general3A_11 {dimension_numbers = #tpu.dot_dimension_numbers<[0], [0], [1], [1], [0, 1, 1, 1], [], []>, transpose_lhs_hint = false} : vector<128x10000xf32>, vector<128x128xf32>, vector<10000x128xf32> -> vector<10000x128xf32>
    %swap3A_13 = arith.constant 0 : index
    %swap3A_14 = arith.constant 0 : index
    %swap3A_15 = vector.load %arg4[%swap3A_13, %swap3A_14] : memref<10000x128xf32, #tpu.memory_space<vmem>>, vector<10000x128xf32>
    tpu.vector_store %arg4[%swap3A_13, %swap3A_14], %dot_general3A_12 {strides = array<i32>} : memref<10000x128xf32, #tpu.memory_space<vmem>>, vector<10000x128xf32>,
    return
  }
}

module attributes {stable_mosaic.version = 14 : i64} {
  func.func @_combine_body(%arg0: memref<10000x128xf32, #tpu.memory_space<vmem>>, %arg1: memref<2x10000x128xf32, #tpu.memory_space<vmem>>, %arg2: memref<32x10000xf32, #tpu.memory_space<vmem>>, %arg3: memref<1x128xf32, #tpu.memory_space<vmem>>, %arg4: memref<1x1xf32, #tpu.memory_space<vmem>>, %arg5: memref<128x10000xf32, #tpu.memory_space<vmem>>) attributes {dimension_semantics = [], scalar_prefetch = 0 : i64, scratch_operands = 0 : i64, tpu.core_type = #tpu.core_type<tc>} {
    %get3A = arith.constant 0 : index
    %get3A_0 = arith.constant 0 : index
    %get3A_1 = arith.constant 0 : index
    %get3A_2 = vector.load %arg1[%get3A, %get3A_0, %get3A_1] : memref<2x10000x128xf32, #tpu.memory_space<vmem>>, vector<1x10000x128xf32>
    %get3A_3 = vector.shape_cast %get3A_2 : vector<1x10000x128xf32> to vector<10000x128xf32>
    %get3A_4 = arith.constant 1 : index
    %get3A_5 = arith.constant 0 : index
    %get3A_6 = arith.constant 0 : index
    %get3A_7 = vector.load %arg1[%get3A_4, %get3A_5, %get3A_6] : memref<2x10000x128xf32, #tpu.memory_space<vmem>>, vector<1x10000x128xf32>
    %get3A_8 = vector.shape_cast %get3A_7 : vector<1x10000x128xf32> to vector<10000x128xf32>
    %add3A = arith.addf %get3A_3, %get3A_8 : vector<10000x128xf32>
    %get3A_9 = arith.constant 0 : index
    %get3A_10 = arith.constant 0 : index
    %get3A_11 = vector.load %arg2[%get3A_9, %get3A_10] : memref<32x10000xf32, #tpu.memory_space<vmem>>, vector<32x10000xf32>
    %reduce_sum3A = arith.constant dense<0.000000e+00> : vector<10000xf32>
    %reduce_sum3A_12 = vector.multi_reduction <add>, %get3A_11, %reduce_sum3A [0] : vector<32x10000xf32> to vector<10000xf32>
    %broadcast_in_dim3A = vector.shape_cast %reduce_sum3A_12 : vector<10000xf32> to vector<10000x1xf32>
    %get3A_13 = arith.constant 0 : index
    %get3A_14 = arith.constant 0 : index
    %get3A_15 = vector.load %arg0[%get3A_13, %get3A_14] : memref<10000x128xf32, #tpu.memory_space<vmem>>, vector<10000x128xf32>
    %get3A_16 = arith.constant 0 : index
    %get3A_17 = arith.constant 0 : index
    %get3A_18 = vector.load %arg3[%get3A_16, %get3A_17] : memref<1x128xf32, #tpu.memory_space<vmem>>, vector<1x128xf32>
    %add3A_19 = vector.broadcast %get3A_18 : vector<1x128xf32> to vector<10000x128xf32>
    %add3A_20 = arith.addf %get3A_15, %add3A_19 : vector<10000x128xf32>
    %mul3A = vector.broadcast %broadcast_in_dim3A : vector<10000x1xf32> to vector<10000x128xf32>
    %mul3A_21 = arith.mulf %mul3A, %add3A_20 : vector<10000x128xf32>
    %add3A_22 = arith.addf %mul3A_21, %add3A : vector<10000x128xf32>
    %max3A = arith.constant 1.000000e+00 : f32
    %max3A_23 = vector.broadcast %max3A : f32 to vector<10000x1xf32>
    %max3A_24 = arith.maximumf %broadcast_in_dim3A, %max3A_23 : vector<10000x1xf32>
    %div3A = vector.broadcast %max3A_24 : vector<10000x1xf32> to vector<10000x128xf32>
    %div3A_25 = arith.divf %add3A_22, %div3A : vector<10000x128xf32>
    %get3A_26 = arith.constant 0 : index
    %get3A_27 = arith.constant 0 : index
    %get3A_28 = vector.load %arg4[%get3A_26, %get3A_27] : memref<1x1xf32, #tpu.memory_space<vmem>>, vector<1x1xf32>
    %get3A_29 = vector.extract %get3A_28[0, 0] : f32 from vector<1x1xf32>
    %ge3A = arith.constant 0.000000e+00 : f32
    %ge3A_30 = vector.broadcast %ge3A : f32 to vector<10000x128xf32>
    %ge3A_31 = arith.cmpf oge, %div3A_25, %ge3A_30 : vector<10000x128xf32>
    %mul3A_32 = vector.broadcast %get3A_29 : f32 to vector<10000x128xf32>
    %mul3A_33 = arith.mulf %mul3A_32, %div3A_25 : vector<10000x128xf32>
    %select_n3A = arith.select %ge3A_31, %div3A_25, %mul3A_33 : vector<10000x128xi1>, vector<10000x128xf32>
    %transpose3A = tpu.transpose %select_n3A, [1, 0] : vector<10000x128xf32> -> vector<128x10000xf32>
    %swap3A = arith.constant 0 : index
    %swap3A_34 = arith.constant 0 : index
    %swap3A_35 = vector.load %arg5[%swap3A, %swap3A_34] : memref<128x10000xf32, #tpu.memory_space<vmem>>, vector<128x10000xf32>
    tpu.vector_store %arg5[%swap3A, %swap3A_34], %transpose3A {strides = array<i32>} : memref<128x10000xf32, #tpu.memory_space<vmem>>, vector<128x10000xf32>,
    return
  }
}

</mosaic_0001>

<sc_bundles>
// kernel: kernel.5.cloned.1.call-start
scs
__scs_entry_jumppad:
0x0: {  	(pc) =	sbr.rel $0x88, $3  }
0x1: {  	(tag) =	ssettag $0x0;
	lr =	simm.s32 $0x1  }
0x2: {  	[smem:$0x3F9B] =	sst lr;
	_ =	strace $0xD0000000  }
0x3: {  	_ = 	snop  }
0x4: {  	_ = 	snop  }
0x5: {  	_ = 	snop  }
0x6: {  	_ = 	snop  }
0x7: {  	_ = 	snop  }
__scs_overlays_trampoline_lowered:
0x8: {  	[smem:$0x3FAA] =	sst s0  }
0x9: {  	[smem:$0x3FAB] =	sst s1  }
0xa: {  	[smem:$0x3FAC] =	sst s2  }
0xb: {  	[smem:$0x3FAD] =	sst s3  }
0xc: {  	[smem:$0x3FAE] =	sst s4  }
0xd: {  	[smem:$0x3FAF] =	sst s5  }
0xe: {  	[smem:$0x3FB0] =	sst s6  }
0xf: {  	[smem:$0x3FB1] =	sst s7  }
0x10: {  	[smem:$0x3FB2] =	sst s8  }
0x11: {  	[smem:$0x3FB3] =	sst s9;
	s0 =	simm.s32 @!p0 $0x0  }
0x12: {  	s1 =	sld [smem:$0x3F99];
	s0 =	simm.s32 @p0 $0x1  }
0x13: {  	[smem:$0x3FB4] =	sst s0;
	s0 =	simm.s32 @!p1 $0x0  }
0x14: {  	s2 =	sld [smem:$0x3F98];
	s0 =	simm.s32 @p1 $0x1  }
0x15: {  	[smem:$0x3FB5] =	sst s0;
	s0 =	simm.s32 @!p2 $0x0  }
0x16: {  	s3 =	sld [smem:$0x3FDB];
	s0 =	simm.s32 @p2 $0x1  }
0x17: {  	s4 =	simm.s32 $0x1BF5;
	[smem:$0x3FB7] =	sst s0  }
0x18: {  	s0 =	sld [smem:$0x3F9A];
	_ =	swait.ge [sflag:s4], $0x0  }
0x19: {  	s7 =	sld [smem:$0x3F9B]  }
0x1a: {  	s8 =	sadd.s32 $0xFFFFE003, lr  }
0x1b: {  	s9 =	sadd.s32 $0xFFFFFEF7, lr;
	s5 =	simm.s32 $0xFFFFFFFF;
	p2 =	slt.u32 s8, $0xFFFFF086  }
0x1c: {  	p1 =	slt.u32 s9, $0xF7A;
	s5 =	simm.s32 @!p2 $0x0  }
0x1d: {  	s5 =	simm.s32 @p1 $0x1;
	p0 =	seq.s32 s7, s2  }
0x1e: {  	s7 =	smul.u32 @!p0 $0xF7A, s2;
	p2 =	seq.s32 @!p0 s5, $0x0  }
0x1f: {  	s9 =	smul.u32 $0xF7A, s1;
	s8 =	simm.s32 @!p0 $0x1BF5;
	p2 =	por !p2, p0  }
0x20: {  	[sflag:s8] =	ssyncset.s32 @!p0 $0xFFFFF086;
	s6 =	sadd.s32 @!p0 s3, s7;
	s7 =	simm.s32 @!p0 $0x108  }
0x21: {  	s3 =	sadd.s32 s3, s9;
	s6 =	sadd.s32 @!p0 $0x88, s6;
	s7 =	simm.s32 @p2 $0x1082  }
0x22: {  	[simem:s7], [sflag:s8] =	dma.local @!p0 [hbm:s6], $0xF7A  }
0x23: {  	s9 =	sor.u32 $0xD0000000, s2;
	s6 =	simm.s32 $0x108;
	_ =	swait.ge @!p0 [sflag:s8], $0x0  }
0x24: {  	s3 =	sadd.s32 $0x88, s3;
	s6 =	simm.s32 @!p1 $0x1082;
	[sflag:s4] =	ssyncset.s32 $0xFFFFF086  }
0x25: {  	[simem:s6], [sflag:s4] =	dma.local [hbm:s3], $0xF7A  }
0x26: {  	[smem:$0x3F9B] =	sst s1;
	(tag) =	ssettag s2;
	_ =	strace s9  }
0x27: {  	s1 =	sld [smem:$0x3FAB]  }
0x28: {  	s2 =	sld [smem:$0x3FAC]  }
0x29: {  	s4 =	sld [smem:$0x3FAE]  }
0x2a: {  	p0 =	seq.s32 s5, $0x0;
	s5 =	sld [smem:$0x3FAF]  }
0x2b: {  	s6 =	sld [smem:$0x3FB0]  }
0x2c: {  	s7 =	sld [smem:$0x3FB1]  }
0x2d: {  	s3 =	simm.s32 $0x108;
	s8 =	sld [smem:$0x3FB2]  }
0x2e: {  	s3 =	simm.s32 @!p0 $0x1082;
	s9 =	sld [smem:$0x3FB3]  }
0x2f: {  	lr =	sadd.s32 s0, s3;
	s0 =	sld [smem:$0x3FAA]  }
0x30: {  	s3 =	sld [smem:$0x3FAD]  }
0x31: {  	[smem:$0x3FB6] =	sst s10  }
0x32: {  	s10 =	sld [smem:$0x3FB4];
	_ =	sdelay $0x3  }
0x33: {  	p0 =	seq.s32 s10, $0x1;
	s10 =	sld [smem:$0x3FB6];
	_ =	sdelay $0x3  }
0x34: {  	[smem:$0x3FB6] =	sst s10  }
0x35: {  	s10 =	sld [smem:$0x3FB5];
	_ =	sdelay $0x3  }
0x36: {  	p1 =	seq.s32 s10, $0x1;
	s10 =	sld [smem:$0x3FB6];
	_ =	sdelay $0x3  }
0x37: {  	[smem:$0x3FB6] =	sst s10  }
0x38: {  	s10 =	sld [smem:$0x3FB7]  }
0x39: {  	_ = 	snop;
	(pc) =	sbr.ind lr, $3  }
0x3a: {  	_ = 	snop  }
0x3b: {  	_ = 	snop  }
0x3c: {  	p2 =	seq.s32 s10, $0x1;
	s10 =	sld [smem:$0x3FB6]  }
0x3d: {  	_ =	shalt  }
0x3e: {  	_ =	shalt  }
0x3f: {  	_ =	shalt  }
0x40: {  	_ =	shalt  }
0x41: {  	_ =	shalt  }
0x42: {  	_ =	shalt  }
0x43: {  	_ =	shalt  }
0x44: {  	_ =	shalt  }
0x45: {  	_ =	shalt  }
0x46: {  	_ =	shalt  }
0x47: {  	_ =	shalt  }
0x48: {  	_ =	shalt  }
0x49: {  	_ =	shalt  }
0x4a: {  	_ =	shalt  }
0x4b: {  	_ =	shalt  }
0x4c: {  	_ =	shalt  }
0x4d: {  	_ =	shalt  }
0x4e: {  	_ =	shalt  }
0x4f: {  	_ =	shalt  }
0x50: {  	_ =	shalt  }
0x51: {  	_ =	shalt  }
0x52: {  	_ =	shalt  }
0x53: {  	_ =	shalt  }
0x54: {  	_ =	shalt  }
0x55: {  	_ =	shalt  }
0x56: {  	_ =	shalt  }
0x57: {  	_ =	shalt  }
0x58: {  	_ =	shalt  }
0x59: {  	_ =	shalt  }
0x5a: {  	_ =	shalt  }
0x5b: {  	_ =	shalt  }
0x5c: {  	_ =	shalt  }
0x5d: {  	_ =	shalt  }
0x5e: {  	_ =	shalt  }
0x5f: {  	_ =	shalt  }
0x60: {  	_ =	shalt  }
0x61: {  	_ =	shalt  }
0x62: {  	_ =	shalt  }
0x63: {  	_ =	shalt  }
0x64: {  	_ =	shalt  }
0x65: {  	_ =	shalt  }
0x66: {  	_ =	shalt  }
0x67: {  	_ =	shalt  }
0x68: {  	_ =	shalt  }
0x69: {  	_ =	shalt  }
0x6a: {  	_ =	shalt  }
0x6b: {  	_ =	shalt  }
0x6c: {  	_ =	shalt  }
0x6d: {  	_ =	shalt  }
0x6e: {  	_ =	shalt  }
0x6f: {  	_ =	shalt  }
0x70: {  	_ =	shalt  }
0x71: {  	_ =	shalt  }
0x72: {  	_ =	shalt  }
0x73: {  	_ =	shalt  }
0x74: {  	_ =	shalt  }
0x75: {  	_ =	shalt  }
0x76: {  	_ =	shalt  }
0x77: {  	_ =	shalt  }
0x78: {  	_ =	shalt  }
0x79: {  	_ =	shalt  }
0x7a: {  	_ =	shalt  }
0x7b: {  	_ =	shalt  }
0x7c: {  	_ =	shalt  }
0x7d: {  	_ =	shalt  }
0x7e: {  	_ =	shalt  }
0x7f: {  	_ =	shalt  }
0x80: {  	_ =	shalt  }
0x81: {  	_ =	shalt  }
0x82: {  	_ =	shalt  }
0x83: {  	_ =	shalt  }
0x84: {  	_ =	shalt  }
0x85: {  	_ =	shalt  }
0x86: {  	_ =	shalt  }
0x87: {  	_ =	shalt  }
.Lfunc_end0:
.L_simem_size_0:
called_computation_lowered:
.L_overlay_start_0:
0x88: {  	s2 =	sld [smem:$0x3FD9]  }
0x89: {  	s3 =	sld [smem:$0x3FFE];
	_ =	sdelay $0x1  }
0x8a: {  	s1 =	srdreg.scid  }
0x8b: {  	s0 =	sand.u32 $0x1, s1  }
0x8c: {  	s17 =	sshll.u32 s0, $0xA;
	s2 =	sadd.s32 s3, s2  }
0x8d: {  	s2 =	sadd.s32 s2, s17  }
0x8e: {  	[smem:$0x3FC2] =	sst s2  }
0x8f: {  	_ = 	snop  }
0x90: {  	s2 =	sld [smem:$0x3FC8]  }
0x91: {  	s18 =	sld [smem:$0x3FC7]  }
0x92: {  	s4 =	sld [smem:$0x3FD0];
	(tm) =	ssettm $0x1  }
0x93: {  	s5 =	sld [smem:$0x3FFB];
	_ =	sdelay $0x3  }
0x94: {  	_ =	strace s5  }
0x95: {  	s5 =	sld [smem:$0x3FFC];
	_ =	sdelay $0x3  }
0x96: {  	_ =	strace s5  }
0x97: {  	s5 =	sld [smem:$0x3FFD];
	_ =	sdelay $0x3  }
0x98: {  	_ =	strace s5  }
0x99: {  	_ =	strace $0x8FFFFFFF  }
0x9a: {  	s19 =	sld [smem:$0x3FDB];
	_ =	sdelay $0x1  }
0x9b: {  	s6 =	simm.s32 $_scs_section_size  }
0x9c: {  	s7 =	simm.s32 $_size__tile_overlayer_lowered;
	s8 =	simm.s32 $_tile_overlayer_lowered  }
0x9d: {  	s22 =	simm.s32 $0x1BFF;
	s21 =	sshll.u32 s8, $0x1;
	s5 =	sadd.s32 s6, s19  }
0x9e: {  	s9 =	simm.s32 $0x0;
	s20 =	sshll.u32 s7, $0x1;
	s7 =	sadd.s32 s21, s5  }
0x9f: {  	[timem:s9], [sflag:s22] =	dma.local [hbm:s7], s20  }
0xa0: {  	_ =	swait.ge [sflag:s22], s20  }
0xa1: {  	s6 =	ssub.s32 $0x0, s20;
	[sflag:s22] =	ssyncset.done $0x0  }
0xa2: {  	[sflag:s22] =	ssyncadd.s32 s6;
	_ =	sdelay $0x1  }
0xa3: {  	s23 =	simm.s32 $0x1B8B  }
0xa4: {  	_ =	swait.ge [sflag:s23], $0x1  }
0xa5: {  	[sflag:s23] =	ssyncset.done $0x0  }
0xa6: {  	s25 =	simm.s32 $0x1B8E;
	s24 =	sld [smem:$0x3FFE];
	[sflag:s23] =	ssyncadd.s32 $0xFFFFFFFF  }
0xa7: {  	s26 =	simm.s32 $execute0_lowered;
	[smem:$0x3FD2] =	sst s25  }
0xa8: {  	s7 =	sshll.u32 s26, $0x1;
	_ =	strace $0x80000046;
	[dreg:$0x1] =	wrdreg $0xFFFFFFFF  }
0xa9: {  	s28 =	simm.s32 $_size_execute0_lowered;
	s5 =	sadd.s32 s5, s7;
	[dreg:$0x0] =	wrdreg $0x0  }
0xaa: {  	s7 =	sshll.u32 s28, $0x1;
	[dreg:$0x2] =	wrdreg s5  }
0xab: {  	[dreg:$0x3] =	wrdreg s7  }
0xac: {  	[dreg:$0x4] =	wrdreg $0xC0  }
0xad: {  	_ =	task [dreg:s9], $0x5FFFF  }
0xae: {  	[dreg:$0x1] =	wrdreg $0xFFFFFFFF  }
0xaf: {  	[dreg:$0x0] =	wrdreg $0x60  }
0xb0: {  	[dreg:$0x2] =	wrdreg s4  }
0xb1: {  	[dreg:$0x3] =	wrdreg s2  }
0xb2: {  	[dreg:$0x4] =	wrdreg s18  }
0xb3: {  	[dreg:$0x5] =	wrdreg s24  }
0xb4: {  	[dreg:$0x6] =	wrdreg $0x0  }
0xb5: {  	[dreg:$0x7] =	wrdreg $0x9  }
0xb6: {  	_ =	task.clear_ibuf [dreg:s9], $0x8FFFF;
	_ =	strace $0x90000046  }
0xb7: {  	s29 =	simm.s32 $0x9;
	_ =	strace $0x80000048  }
0xb8: {  	_ =	swait.ge [sflag:s29], $0x1  }
0xb9: {  	[sflag:s29] =	ssyncadd.s32 $0xFFFFFFFF  }
0xba: {  	_ =	strace $0x90000048  }
0xbb: {  	_ =	sfence  }
0xbc: {  	s30 =	sld [smem:$0x0];
	_ =	sdelay $0x2  }
0xbd: {  	s31 =	sshll.u32 s1, $0xD;
	s1 =	sshrl.u32 s1, $0x2  }
0xbe: {  	s3 =	sand.u32 $0x4000, s31;
	s1 =	sadd.s32 s1, s30  }
0xbf: {  	s0 =	sor.u32 s3, s0;
	s1 =	sshll.u32 s1, $0x11  }
0xc0: {  	s0 =	sor.u32 s1, s0  }
0xc1: {  	s0 =	sadd.s32 $0x8F2B, s0  }
0xc2: {  	[sflag:s0] =	ssyncadd.remote.s32 $0x1  }
0xc3: {  	_ =	sfence.sel $0xFFFF  }
0xc4: {  	[dreg:$0x0] =	wrdreg $0xFFFFFFFF;
	(pc) =	sbr.abs _section_cstart, $3  }
0xc5: {  	[dreg:$0x1] =	wrdreg $0xFFFFFFFF  }
0xc6: {  	_ =	task.clear_ibuf [dreg:s9], $0x2FFFF;
	_ =	strace $0x9FFFFFFF  }
0xc7: {  	(tm) =	ssettm $0x7FFFFFFF  }
tec
execute0_lowered:
.L_overlay_start_1:
0x0: {  	(tag) =	ssettag $0x1  }
0x1: {  	s1 =	srdreg.scid;
	s0 =	rddreg [dreg:$0x1]  }
0x2: {  	s23 =	stileid.u32;
	s3 =	rddreg [dreg:$0x2]  }
0x3: {  	s2 =	rddreg [dreg:$0x3];
	s28 =	simm.s32 $0x3;
	s29 =	simm.s32 $0x2  }
0x4: {  	s30 =	simm.s32 $0x13B00;
	s31 =	simm.s32 $0x6;
	s4 =	sand.u32 $0x1, s1  }
0x5: {  	s6 =	sshrl.u32 s23, $0x3;
	s1 =	simm.s32 $0x0;
	s26 =	smul.u32 $0x9C, s23  }
0x6: {  	s7 =	sadd.s32 $0x2400, s2;
	s8 =	sshll.u32 s23, $0x7;
	s5 =	smul.u32 $0x27800, s4  }
0x7: {  	s9 =	sshll.u32 s23, $0x1;
	s10 =	sshll.u32 s23, $0xE;
	s6 =	smul.u32 $0x13C00, s6  }
0x8: {  	p0 =	sgt.u32 s23, $0xD;
	p3 =	sgt.u32 s23, $0x1;
	s11 =	smul.u32 $0x138800, s4  }
0x9: {  	s16 =	ssub.s32 $0x2, s4;
	s9 =	sor.u32 s4, s9;
	s4 =	smul.u32 $0x4E, s4  }
0xa: {  	[smem:$0x7FF] =	sst s1;
	s15 =	sand.u32 $0x380, s8;
	s13 =	smul.u32 $0x4E0, s9  }
0xb: {  	s14 =	sor.u32 $0x100000, s10;
	s12 =	sshrl.u32 s16, $0x1;
	s21 =	smul.u32 $0x2700, s9  }
0xc: {  	s5 =	sadd.s32 s5, s6;
	s6 =	ssub.s32 s16, s12;
	s17 =	sadd.s32 s11, s14  }
0xd: {  	s22 =	sshrl.u32 s11, $0x3;
	s4 =	sadd.s32 s4, s26;
	s5 =	sor.u32 s15, s5  }
0xe: {  	s18 =	sadd.s32 s3, s13;
	s19 =	sadd.s32 s0, s13;
	s8 =	sshrl.u32 s17, $0x3  }
0xf: {  	s20 =	sor.u32 $0x10, s13;
	s15 =	sadd.s32 s11, s10;
	[dreg:$0x6] =	wrdreg s18  }
0x10: {  	s4 =	sshll.u32 s4, $0x4;
	[dreg:$0x7] =	wrdreg s19;
	s8 =	sadd.s32 s7, s8  }
0x11: {  	s18 =	sor.u32 $0x40000, s10;
	s15 =	sshrl.u32 s15, $0x3;
	s19 =	sor.u32 $0x80000, s10  }
0x12: {  	s17 =	sadd.s32 s0, s20;
	[dreg:$0x8] =	wrdreg s8;
	s8 =	sadd.s32 s7, s22  }
0x13: {  	s16 =	sadd.s32 s11, s18;
	s15 =	sadd.s32 s7, s15;
	[dreg:$0xe] =	wrdreg s17  }
0x14: {  	s25 =	sadd.s32 s11, s19;
	s17 =	rddreg [dreg:$0x4];
	s24 =	sshrl.u32 s16, $0x3  }
0x15: {  	s22 =	sor.u32 $0xC0000, s10;
	[dreg:$0x9] =	wrdreg s15;
	s15 =	sadd.s32 s7, s24  }
0x16: {  	s11 =	sadd.s32 s11, s22;
	[dreg:$0xa] =	wrdreg s15;
	s15 =	sshrl.u32 s25, $0x3  }
0x17: {  	s16 =	rddreg [dreg:$0x0];
	s11 =	sshrl.u32 s11, $0x3;
	s15 =	sadd.s32 s7, s15  }
0x18: {  	s7 =	sadd.s32 s7, s11;
	[dreg:$0xb] =	wrdreg s15;
	s15 =	sshrl.u32 s21, $0x3  }
0x19: {  	s11 =	sadd.s32 s3, s20;
	[dreg:$0xc] =	wrdreg s7;
	s20 =	sadd.s32 $0x20, s15  }
0x1a: {  	s25 =	sshll.u32 s9, $0x4;
	[dreg:$0xd] =	wrdreg s11;
	s21 =	sadd.s32 s3, s20  }
0x1b: {  	s7 =	sadd.s32 $0x30, s15;
	s11 =	sadd.s32 s0, s20;
	[dreg:$0xf] =	wrdreg s21  }
0x1c: {  	s24 =	sadd.s32 s3, s7;
	s7 =	sadd.s32 s0, s7;
	[dreg:$0x10] =	wrdreg s11  }
0x1d: {  	s4 =	sadd.s32 $0x40, s4;
	[dreg:$0x12] =	wrdreg s7;
	s7 =	sor.u32 $0x9C00, s25  }
0x1e: {  	s9 =	sshrl.u32 s5, $0x3;
	[dreg:$0x11] =	wrdreg s24;
	s26 =	sadd.s32 s3, s7  }
0x1f: {  	s21 =	sadd.s32 s4, s0;
	s7 =	sadd.s32 s0, s7;
	[dreg:$0x13] =	wrdreg s26  }
0x20: {  	s11 =	sadd.s32 $0x1600, s2;
	s0 =	sadd.s32 s9, s2;
	[dreg:$0x14] =	wrdreg s7  }
0x21: {  	s2 =	sadd.s32 $0x1E00, s2;
	_ =	strace $0x80000047;
	[dreg:$0x15] =	wrdreg s11  }
0x22: {  	p2 =	sne.s32 @p0 s23, $0xF;
	s12 =	sadd.s32 s14, s17;
	[dreg:$0x16] =	wrdreg s2  }
0x23: {  	p1 =	por p2, !p0;
	s13 =	sadd.s32 $0x27000, s8;
	[dreg:$0x17] =	wrdreg s12  }
0x24: {  	p2 =	por !p2, !p0;
	s0 =	sadd.s32 $0x50600, s0;
	[dreg:$0x18] =	wrdreg s13  }
0x25: {  	s14 =	smax.u32 s6, $0x1;
	s8 =	simm.s32 $0x13B80;
	[dreg:$0x19] =	wrdreg s0  }
0x26: {  	s15 =	sadd.s32 s18, s17;
	s18 =	sadd.s32 s19, s17;
	[dreg:$0x1a] =	wrdreg s14  }
0x27: {  	s19 =	sadd.s32 s22, s17;
	s20 =	sadd.s32 s4, s3;
	[dreg:$0x1b] =	wrdreg s15  }
0x28: {  	s24 =	sadd.s32 s10, s17;
	s6 =	sadd.s32 $0x10, s20;
	[dreg:$0x1c] =	wrdreg s18  }
0x29: {  	s22 =	sadd.s32 $0x100000, s24;
	s23 =	sadd.s32 $0x40000, s24;
	[dreg:$0x1d] =	wrdreg s19  }
0x2a: {  	s25 =	sadd.s32 $0x80000, s24;
	s9 =	simm.s32 $0x7;
	[dreg:$0x1e] =	wrdreg s22  }
0x2b: {  	s3 =	simm.s32 $0x1BB80;
	s26 =	sadd.s32 $0xC0000, s24;
	[dreg:$0x1f] =	wrdreg s23  }
0x2c: {  	s7 =	sadd.s32 $0x10, s21;
	s0 =	sadd.s32 $0x138000, s17;
	[smem:$0x7FC] =	sst s25  }
0x2d: {  	[smem:$0x7FD] =	sst s26;
	s11 =	simm.s32 $0x13880;
	s12 =	simm.s32 $0x13980  }
0x2e: {  	s13 =	simm.s32 $0x80;
	s14 =	simm.s32 $0x13900;
	s18 =	simm.s32 $0x13A00  }
0x2f: {  	s19 =	simm.s32 $0x4;
	s22 =	simm.s32 $0x17B80;
	s23 =	simm.s32 $0x1  }
0x30: {  	s25 =	simm.s32 $0x13A80;
	s26 =	simm.s32 $0x5;
	s15 =	simm.s32 $0x0  }
.LBB2_1:
0x31: {  	s2 =	rddreg [dreg:$0x15]  }
0x32: {  	[tilespmem:s8], [sflag:$0x7] =	stream.linear.gather [hbm4b:s2+s1], $0x4000, $0x38;
	[tilespmem:$0x1E300] =	vst v63  }
0x33: {  	_ =	swait.ge [sflag:s9], $0x4000  }
0x34: {  	[sflag:s9] =	ssyncset.done $0x0  }
0x35: {  	s5 =	rddreg [dreg:$0x16];
	[sflag:s9] =	ssyncadd.s32 $0xFFFFC000  }
0x36: {  	[tilespmem:s3], [sflag:$0x7] =	stream.linear.gather [hbm4b:s5+s1], $0x2780, $0x38;
	[tilespmem:$0x1E300] =	vst v63  }
0x37: {  	_ =	swait.ge [sflag:s9], $0x2780  }
0x38: {  	[sflag:s9] =	ssyncset.done $0x0  }
0x39: {  	[sflag:s9] =	ssyncadd.s32 $0xFFFFD880  }
0x3a: {  	[spmem:s24] =	stream.linear.scatter [tilespmem:s8], [sflag:$0x7], $0x4000, $0x38;
	[tilespmem:$0x1E300] =	vst v63  }
0x3b: {  	_ =	swait.ge [sflag:s9], $0x4000  }
0x3c: {  	[sflag:s9] =	ssyncset.done $0x0  }
0x3d: {  	s10 =	rddreg [dreg:$0x1f];
	[sflag:s9] =	ssyncadd.s32 $0xFFFFC000  }
0x3e: {  	[spmem:s10] =	stream.linear.scatter [tilespmem:s8], [sflag:$0x7], $0x4000, $0x38;
	[tilespmem:$0x1E300] =	vst v63  }
0x3f: {  	_ =	swait.ge [sflag:s9], $0x4000  }
0x40: {  	s3 =	sld [smem:$0x7FC]  }
0x41: {  	[sflag:s9] =	ssyncset.done $0x0  }
0x42: {  	[sflag:s9] =	ssyncadd.s32 $0xFFFFC000  }
0x43: {  	[spmem:s3] =	stream.linear.scatter [tilespmem:s8], [sflag:$0x7], $0x4000, $0x38;
	[tilespmem:$0x1E300] =	vst v63  }
0x44: {  	_ =	swait.ge [sflag:s9], $0x4000  }
0x45: {  	s4 =	sld [smem:$0x7FD]  }
0x46: {  	[sflag:s9] =	ssyncset.done $0x0  }
0x47: {  	[sflag:s9] =	ssyncadd.s32 $0xFFFFC000  }
0x48: {  	[spmem:s4] =	stream.linear.scatter [tilespmem:s8], [sflag:$0x7], $0x4000, $0x38;
	[tilespmem:$0x1E300] =	vst v63  }
0x49: {  	_ =	swait.ge [sflag:s9], $0x4000  }
0x4a: {  	[sflag:s9] =	ssyncset.done $0x0  }
0x4b: {  	s2 =	simm.s32 @!p1 $0x13B80;
	[sflag:s9] =	ssyncadd.s32 $0xFFFFC000  }
0x4c: {  	[spmem:s0] =	stream.linear.scatter @!p1 [tilespmem:s2], [sflag:$0x7], $0x800, $0x38;
	[tilespmem:$0x1E300] =	vst v63  }
0x4d: {  	s2 =	simm.s32 @!p1 $0x7  }
0x4e: {  	_ =	swait.ge @!p1 [sflag:s2], $0x800  }
0x4f: {  	[sflag:s2] =	ssyncset.done @!p1 $0x0  }
0x50: {  	s3 =	rddreg [dreg:$0x1e];
	[sflag:s2] =	ssyncadd.s32 @!p1 $0xFFFFF800;
	s2 =	simm.s32 @!p0 $0x13B80  }
0x51: {  	[spmem:s3] =	stream.linear.scatter @!p0 [tilespmem:s2], [sflag:$0x7], $0x4000, $0x38;
	[tilespmem:$0x1E300] =	vst v63  }
0x52: {  	s2 =	simm.s32 @!p0 $0x7  }
0x53: {  	_ =	swait.ge @!p0 [sflag:s2], $0x4000  }
0x54: {  	[sflag:s2] =	ssyncset.done @!p0 $0x0  }
0x55: {  	[sflag:s2] =	ssyncadd.s32 @!p0 $0xFFFFC000  }
0x56: {  	[bflag:$0x0] =	sbarrier.arrive $0xFFFF  }
0x57: {  	s5 =	rddreg [dreg:$0x6]  }
0x58: {  	[tilespmem:s11], [sflag:$0x7] =	stream.linear.gather [hbm4b:s5+s1], $0x80, $0x38;
	[tilespmem:$0x1E300] =	vst v63  }
0x59: {  	_ =	swait.ge [sflag:s9], $0x80  }
0x5a: {  	[sflag:s9] =	ssyncset.done $0x0  }
0x5b: {  	s10 =	rddreg [dreg:$0x7];
	[sflag:s9] =	ssyncadd.s32 $0xFFFFFF80  }
0x5c: {  	[tilespmem:s12], [sflag:$0x7] =	stream.linear.gather [hbm4b:s10+s1], $0x80, $0x38;
	[tilespmem:$0x1E300] =	vst v63  }
0x5d: {  	_ =	swait.ge [sflag:s9], $0x80  }
0x5e: {  	[sflag:s9] =	ssyncset.done $0x0  }
0x5f: {  	[sflag:s9] =	ssyncadd.s32 $0xFFFFFF80  }
0x60: {  	[tilespmem:s8], [sflag:$0x1] =	stream.indirect.gather [hbm4b:s16+s13], $0x80, s11, s13, $0xb8;
	[tilespmem:$0x1E300] =	vst v63  }
0x61: {  	s3 =	rddreg [dreg:$0xd]  }
0x62: {  	[tilespmem:s14], [sflag:$0x4] =	stream.linear.gather [hbm4b:s3+s1], $0x80, $0x38;
	[tilespmem:$0x1E300] =	vst v63  }
0x63: {  	s4 =	rddreg [dreg:$0xe]  }
0x64: {  	[tilespmem:s18], [sflag:$0x4] =	stream.linear.gather [hbm4b:s4+s1], $0x80, $0x38;
	[tilespmem:$0x1E300] =	vst v63  }
0x65: {  	v0 =	vld [tilespmem:$0x13980]  }
0x66: {  	v1 =	vld [tilespmem:$0x13990]  }
0x67: {  	v2 =	vld [tilespmem:$0x139A0]  }
0x68: {  	v3 =	vld [tilespmem:$0x139B0]  }
0x69: {  	v4 =	vld [tilespmem:$0x139C0]  }
0x6a: {  	v38 =	vld [tilespmem:$0x139D0];
	[tilespmem:$0x13A80] =	vst v0  }
0x6b: {  	v39 =	vld [tilespmem:$0x139E0];
	[tilespmem:$0x13A90] =	vst v1  }
0x6c: {  	v40 =	vld [tilespmem:$0x139F0];
	[tilespmem:$0x13AA0] =	vst v2  }
0x6d: {  	[tilespmem:$0x13AB0] =	vst v3  }
0x6e: {  	[tilespmem:$0x13AC0] =	vst v4  }
0x6f: {  	[tilespmem:$0x13AD0] =	vst v38  }
0x70: {  	[tilespmem:$0x13AE0] =	vst v39  }
0x71: {  	[tilespmem:$0x13AF0] =	vst v40  }
0x72: {  	_ =	swait.ge [sflag:s19], $0x80  }
0x73: {  	[sflag:s19] =	ssyncset.done $0x0  }
0x74: {  	[sflag:s19] =	ssyncadd.s32 $0xFFFFFF80  }
0x75: {  	_ =	swait.ge [sflag:s19], $0x80  }
0x76: {  	[sflag:s19] =	ssyncset.done $0x0  }
0x77: {  	[sflag:s19] =	ssyncadd.s32 $0xFFFFFF80  }
0x78: {  	[tilespmem:s22], [sflag:$0x2] =	stream.indirect.gather [hbm4b:s16+s13], $0x80, s14, s13, $0xb8;
	[tilespmem:$0x1E300] =	vst v63  }
0x79: {  	_ =	swait.ge [sflag:s23], $0x4000  }
0x7a: {  	[sflag:s23] =	ssyncset.done $0x0  }
0x7b: {  	[sflag:s23] =	ssyncadd.s32 $0xFFFFC000  }
0x7c: {  	[spmem:s17] =	stream.indirect.scatter.add.f32 [tilespmem:s8], [sflag:$0x5], $0x80, s25, s13, $0xb8;
	[tilespmem:$0x1E300] =	vst v63  }
0x7d: {  	s5 =	rddreg [dreg:$0xf]  }
0x7e: {  	[tilespmem:s11], [sflag:$0x3] =	stream.linear.gather [hbm4b:s5+s1], $0x80, $0x38;
	[tilespmem:$0x1E300] =	vst v63  }
0x7f: {  	s10 =	rddreg [dreg:$0x10]  }
0x80: {  	[tilespmem:s12], [sflag:$0x3] =	stream.linear.gather [hbm4b:s10+s1], $0x80, $0x38;
	[tilespmem:$0x1E300] =	vst v63  }
0x81: {  	v41 =	vld [tilespmem:$0x13A00]  }
0x82: {  	v42 =	vld [tilespmem:$0x13A10]  }
0x83: {  	v43 =	vld [tilespmem:$0x13A20]  }
0x84: {  	v44 =	vld [tilespmem:$0x13A30]  }
0x85: {  	v45 =	vld [tilespmem:$0x13A40]  }
0x86: {  	v46 =	vld [tilespmem:$0x13A50];
	[tilespmem:$0x13B00] =	vst v41  }
0x87: {  	v47 =	vld [tilespmem:$0x13A60];
	[tilespmem:$0x13B10] =	vst v42  }
0x88: {  	v48 =	vld [tilespmem:$0x13A70];
	[tilespmem:$0x13B20] =	vst v43  }
0x89: {  	[tilespmem:$0x13B30] =	vst v44  }
0x8a: {  	[tilespmem:$0x13B40] =	vst v45  }
0x8b: {  	[tilespmem:$0x13B50] =	vst v46  }
0x8c: {  	[tilespmem:$0x13B60] =	vst v47  }
0x8d: {  	[tilespmem:$0x13B70] =	vst v48  }
0x8e: {  	_ =	swait.ge [sflag:s26], $0x4000  }
0x8f: {  	[sflag:s26] =	ssyncset.done $0x0  }
0x90: {  	[sflag:s26] =	ssyncadd.s32 $0xFFFFC000  }
0x91: {  	_ =	swait.ge [sflag:s28], $0x80  }
0x92: {  	[sflag:s28] =	ssyncset.done $0x0  }
0x93: {  	[sflag:s28] =	ssyncadd.s32 $0xFFFFFF80  }
0x94: {  	_ =	swait.ge [sflag:s28], $0x80  }
0x95: {  	[sflag:s28] =	ssyncset.done $0x0  }
0x96: {  	[sflag:s28] =	ssyncadd.s32 $0xFFFFFF80  }
0x97: {  	[tilespmem:s8], [sflag:$0x1] =	stream.indirect.gather [hbm4b:s16+s13], $0x80, s11, s13, $0xb8;
	[tilespmem:$0x1E300] =	vst v63  }
0x98: {  	_ =	swait.ge [sflag:s29], $0x4000  }
0x99: {  	[sflag:s29] =	ssyncset.done $0x0  }
0x9a: {  	[sflag:s29] =	ssyncadd.s32 $0xFFFFC000  }
0x9b: {  	[spmem:s17] =	stream.indirect.scatter.add.f32 [tilespmem:s22], [sflag:$0x6], $0x80, s30, s13, $0xb8;
	[tilespmem:$0x1E300] =	vst v63  }
0x9c: {  	s3 =	rddreg [dreg:$0x11]  }
0x9d: {  	[tilespmem:s14], [sflag:$0x4] =	stream.linear.gather [hbm4b:s3+s1], $0x80, $0x38;
	[tilespmem:$0x1E300] =	vst v63  }
0x9e: {  	s4 =	rddreg [dreg:$0x12]  }
0x9f: {  	[tilespmem:s18], [sflag:$0x4] =	stream.linear.gather [hbm4b:s4+s1], $0x80, $0x38;
	[tilespmem:$0x1E300] =	vst v63  }
0xa0: {  	v49 =	vld [tilespmem:$0x13980]  }
0xa1: {  	v50 =	vld [tilespmem:$0x139F0]  }
0xa2: {  	v51 =	vld [tilespmem:$0x139E0]  }
0xa3: {  	v52 =	vld [tilespmem:$0x139D0]  }
0xa4: {  	v53 =	vld [tilespmem:$0x139C0]  }
0xa5: {  	v54 =	vld [tilespmem:$0x139B0];
	[tilespmem:$0x13A80] =	vst v49  }
0xa6: {  	v5 =	vld [tilespmem:$0x139A0];
	[tilespmem:$0x13AF0] =	vst v50  }
0xa7: {  	v55 =	vld [tilespmem:$0x13990];
	[tilespmem:$0x13AE0] =	vst v51  }
0xa8: {  	[tilespmem:$0x13AD0] =	vst v52  }
0xa9: {  	[tilespmem:$0x13AC0] =	vst v53  }
0xaa: {  	[tilespmem:$0x13AB0] =	vst v54  }
0xab: {  	[tilespmem:$0x13AA0] =	vst v5  }
0xac: {  	[tilespmem:$0x13A90] =	vst v55  }
0xad: {  	_ =	swait.ge [sflag:s19], $0x80  }
0xae: {  	[sflag:s19] =	ssyncset.done $0x0  }
0xaf: {  	[sflag:s19] =	ssyncadd.s32 $0xFFFFFF80  }
0xb0: {  	_ =	swait.ge [sflag:s19], $0x80  }
0xb1: {  	[sflag:s19] =	ssyncset.done $0x0  }
0xb2: {  	[sflag:s19] =	ssyncadd.s32 $0xFFFFFF80  }
0xb3: {  	_ =	swait.ge [sflag:s31], $0x4000  }
0xb4: {  	[sflag:s31] =	ssyncset.done $0x0  }
0xb5: {  	[sflag:s31] =	ssyncadd.s32 $0xFFFFC000  }
0xb6: {  	[tilespmem:s22], [sflag:$0x2] =	stream.indirect.gather [hbm4b:s16+s13], $0x80, s14, s13, $0xb8;
	[tilespmem:$0x1E300] =	vst v63  }
0xb7: {  	_ =	swait.ge [sflag:s23], $0x4000  }
0xb8: {  	[sflag:s23] =	ssyncset.done $0x0  }
0xb9: {  	[sflag:s23] =	ssyncadd.s32 $0xFFFFC000  }
0xba: {  	[spmem:s17] =	stream.indirect.scatter.add.f32 [tilespmem:s8], [sflag:$0x5], $0x80, s25, s13, $0xb8;
	[tilespmem:$0x1E300] =	vst v63  }
0xbb: {  	s5 =	sadd.s32 $0x0, s20  }
0xbc: {  	[tilespmem:s11], [sflag:$0x3] =	stream.linear.gather [hbm4b:s5+s1], $0x80, $0x38;
	[tilespmem:$0x1E300] =	vst v63  }
0xbd: {  	s10 =	sadd.s32 $0x0, s21  }
0xbe: {  	[tilespmem:s12], [sflag:$0x3] =	stream.linear.gather [hbm4b:s10+s1], $0x80, $0x38;
	[tilespmem:$0x1E300] =	vst v63  }
0xbf: {  	v56 =	vld [tilespmem:$0x13A70]  }
0xc0: {  	v57 =	vld [tilespmem:$0x13A60]  }
0xc1: {  	v58 =	vld [tilespmem:$0x13A40]  }
0xc2: {  	v59 =	vld [tilespmem:$0x13A10]  }
0xc3: {  	v60 =	vld [tilespmem:$0x13A50]  }
0xc4: {  	v61 =	vld [tilespmem:$0x13A30];
	[tilespmem:$0x13B70] =	vst v56  }
0xc5: {  	v62 =	vld [tilespmem:$0x13A20];
	[tilespmem:$0x13B60] =	vst v57  }
0xc6: {  	v63 =	vld [tilespmem:$0x13A00];
	[tilespmem:$0x13B40] =	vst v58  }
0xc7: {  	[tilespmem:$0x13B10] =	vst v59  }
0xc8: {  	[tilespmem:$0x13B50] =	vst v60  }
0xc9: {  	[tilespmem:$0x13B30] =	vst v61  }
0xca: {  	[tilespmem:$0x13B20] =	vst v62  }
0xcb: {  	[tilespmem:$0x13B00] =	vst v63  }
0xcc: {  	_ =	swait.ge [sflag:s26], $0x4000  }
0xcd: {  	[sflag:s26] =	ssyncset.done $0x0  }
0xce: {  	[sflag:s26] =	ssyncadd.s32 $0xFFFFC000  }
0xcf: {  	_ =	swait.ge [sflag:s28], $0x80  }
0xd0: {  	[sflag:s28] =	ssyncset.done $0x0  }
0xd1: {  	p5 =	por @p0 $0x0, $0x0;
	p4 =	por @!p1 $0x1, $0x1;
	[sflag:s28] =	ssyncadd.s32 $0xFFFFFF80  }
0xd2: {  	p4 =	por @!p2 p5, p5;
	p5 =	por @!p0 $0x0, $0x0;
	_ =	swait.ge [sflag:s28], $0x80  }
0xd3: {  	p4 =	por @!p0 p5, p5;
	[sflag:s28] =	ssyncset.done $0x0  }
0xd4: {  	s2 =	simm.s32 $0x0;
	s10 =	simm.s32 $0x20;
	[sflag:s28] =	ssyncadd.s32 $0xFFFFFF80  }
0xd5: {  	[tilespmem:s8], [sflag:$0x1] =	stream.indirect.gather [hbm4b:s16+s13], $0x80, s11, s13, $0xb8;
	[tilespmem:$0x1E300] =	vst v63  }
.LBB2_2:
0xd6: {  	p5 =	sne.s32 s10, $0x4A0  }
0xd7: {  	_ =	swait.ge [sflag:s29], $0x4000;
	s3 =	smov.u32 s10;
	s10 =	sadd.s32 $0x20, s10  }
0xd8: {  	[sflag:s29] =	ssyncset.done $0x0  }
0xd9: {  	s4 =	sadd.s32 s2, s6;
	[sflag:s29] =	ssyncadd.s32 $0xFFFFC000  }
0xda: {  	[spmem:s17] =	stream.indirect.scatter.add.f32 [tilespmem:s22], [sflag:$0x6], $0x80, s30, s13, $0xb8;
	[tilespmem:$0x1E300] =	vst v63  }
0xdb: {  	s5 =	sadd.s32 s2, s7;
	s2 =	smov.u32 s3  }
0xdc: {  	[tilespmem:s14], [sflag:$0x4] =	stream.linear.gather [hbm4b:s4+s1], $0x80, $0x38;
	[tilespmem:$0x1E300] =	vst v63  }
0xdd: {  	_ = 	snop  }
0xde: {  	[tilespmem:s18], [sflag:$0x4] =	stream.linear.gather [hbm4b:s5+s1], $0x80, $0x38;
	[tilespmem:$0x1E300] =	vst v63  }
0xdf: {  	v0 =	vld [tilespmem:$0x13980]  }
0xe0: {  	v1 =	vld [tilespmem:$0x139F0]  }
0xe1: {  	v2 =	vld [tilespmem:$0x139E0]  }
0xe2: {  	v3 =	vld [tilespmem:$0x139D0]  }
0xe3: {  	v4 =	vld [tilespmem:$0x139C0]  }
0xe4: {  	[tilespmem:$0x13A80] =	vst v0;
	v0 =	vld [tilespmem:$0x139B0]  }
0xe5: {  	v5 =	vld [tilespmem:$0x139A0];
	[tilespmem:$0x13AF0] =	vst v1  }
0xe6: {  	v1 =	vld [tilespmem:$0x13990];
	[tilespmem:$0x13AE0] =	vst v2  }
0xe7: {  	[tilespmem:$0x13AD0] =	vst v3  }
0xe8: {  	[tilespmem:$0x13AC0] =	vst v4  }
0xe9: {  	[tilespmem:$0x13AB0] =	vst v0  }
0xea: {  	[tilespmem:$0x13AA0] =	vst v5  }
0xeb: {  	[tilespmem:$0x13A90] =	vst v1  }
0xec: {  	_ =	swait.ge [sflag:s19], $0x80  }
0xed: {  	[sflag:s19] =	ssyncset.done $0x0  }
0xee: {  	[sflag:s19] =	ssyncadd.s32 $0xFFFFFF80  }
0xef: {  	_ =	swait.ge [sflag:s19], $0x80  }
0xf0: {  	[sflag:s19] =	ssyncset.done $0x0  }
0xf1: {  	[sflag:s19] =	ssyncadd.s32 $0xFFFFFF80  }
0xf2: {  	_ =	swait.ge [sflag:s31], $0x4000  }
0xf3: {  	[sflag:s31] =	ssyncset.done $0x0  }
0xf4: {  	[sflag:s31] =	ssyncadd.s32 $0xFFFFC000  }
0xf5: {  	[tilespmem:s22], [sflag:$0x2] =	stream.indirect.gather [hbm4b:s16+s13], $0x80, s14, s13, $0xb8;
	[tilespmem:$0x1E300] =	vst v63  }
0xf6: {  	_ =	swait.ge [sflag:s23], $0x4000  }
0xf7: {  	[sflag:s23] =	ssyncset.done $0x0  }
0xf8: {  	[sflag:s23] =	ssyncadd.s32 $0xFFFFC000  }
0xf9: {  	[spmem:s17] =	stream.indirect.scatter.add.f32 [tilespmem:s8], [sflag:$0x5], $0x80, s25, s13, $0xb8;
	[tilespmem:$0x1E300] =	vst v63  }
0xfa: {  	s3 =	sadd.s32 s2, s20  }
0xfb: {  	[tilespmem:s11], [sflag:$0x3] =	stream.linear.gather [hbm4b:s3+s1], $0x80, $0x38;
	[tilespmem:$0x1E300] =	vst v63  }
0xfc: {  	s3 =	sadd.s32 s2, s21  }
0xfd: {  	[tilespmem:s12], [sflag:$0x3] =	stream.linear.gather [hbm4b:s3+s1], $0x80, $0x38;
	[tilespmem:$0x1E300] =	vst v63  }
0xfe: {  	v0 =	vld [tilespmem:$0x13A70]  }
0xff: {  	v1 =	vld [tilespmem:$0x13A60]  }
0x100: {  	v2 =	vld [tilespmem:$0x13A40]  }
0x101: {  	v3 =	vld [tilespmem:$0x13A10]  }
0x102: {  	v4 =	vld [tilespmem:$0x13A50]  }
0x103: {  	v5 =	vld [tilespmem:$0x13A30];
	[tilespmem:$0x13B70] =	vst v0  }
0x104: {  	v0 =	vld [tilespmem:$0x13A20];
	[tilespmem:$0x13B60] =	vst v1  }
0x105: {  	v1 =	vld [tilespmem:$0x13A00];
	[tilespmem:$0x13B40] =	vst v2  }
0x106: {  	[tilespmem:$0x13B10] =	vst v3  }
0x107: {  	[tilespmem:$0x13B50] =	vst v4  }
0x108: {  	[tilespmem:$0x13B30] =	vst v5  }
0x109: {  	[tilespmem:$0x13B20] =	vst v0  }
0x10a: {  	[tilespmem:$0x13B00] =	vst v1  }
0x10b: {  	_ =	swait.ge [sflag:s26], $0x4000  }
0x10c: {  	[sflag:s26] =	ssyncset.done $0x0  }
0x10d: {  	[sflag:s26] =	ssyncadd.s32 $0xFFFFC000  }
0x10e: {  	_ =	swait.ge [sflag:s28], $0x80  }
0x10f: {  	[sflag:s28] =	ssyncset.done $0x0  }
.Ltmp0:
0x110: {  	[sflag:s28] =	ssyncadd.s32 $0xFFFFFF80;
	(pc) =	sbr.rel @p5 .LBB2_2-.Ltmp0, $4  }
0x111: {  	_ =	swait.ge [sflag:s28], $0x80  }
0x112: {  	[sflag:s28] =	ssyncset.done $0x0  }
0x113: {  	[sflag:s28] =	ssyncadd.s32 $0xFFFFFF80  }
0x114: {  	[tilespmem:s8], [sflag:$0x1] =	stream.indirect.gather [hbm4b:s16+s13], $0x80, s11, s13, $0xb8;
	[tilespmem:$0x1E300] =	vst v63  }
0x115: {  	_ =	swait.ge [sflag:s29], $0x4000  }
0x116: {  	[sflag:s29] =	ssyncset.done $0x0  }
0x117: {  	[sflag:s29] =	ssyncadd.s32 $0xFFFFC000  }
0x118: {  	[spmem:s17] =	stream.indirect.scatter.add.f32 [tilespmem:s22], [sflag:$0x6], $0x80, s30, s13, $0xb8;
	[tilespmem:$0x1E300] =	vst v63  }
0x119: {  	s3 =	sadd.s32 s2, s6  }
0x11a: {  	[tilespmem:s14], [sflag:$0x4] =	stream.linear.gather [hbm4b:s3+s1], $0x80, $0x38;
	[tilespmem:$0x1E300] =	vst v63  }
0x11b: {  	s4 =	sadd.s32 s2, s7  }
0x11c: {  	[tilespmem:s18], [sflag:$0x4] =	stream.linear.gather [hbm4b:s4+s1], $0x80, $0x38;
	[tilespmem:$0x1E300] =	vst v63  }
0x11d: {  	_ =	swait.ge [sflag:s23], $0x4000  }
0x11e: {  	[sflag:s23] =	ssyncset.done $0x0  }
0x11f: {  	[sflag:s23] =	ssyncadd.s32 $0xFFFFC000  }
0x120: {  	_ =	swait.ge [sflag:s19], $0x80  }
0x121: {  	[sflag:s19] =	ssyncset.done $0x0  }
0x122: {  	[sflag:s19] =	ssyncadd.s32 $0xFFFFFF80  }
0x123: {  	_ =	swait.ge [sflag:s19], $0x80  }
0x124: {  	[sflag:s19] =	ssyncset.done $0x0  }
0x125: {  	[sflag:s19] =	ssyncadd.s32 $0xFFFFFF80  }
0x126: {  	_ =	swait.ge [sflag:s31], $0x4000  }
0x127: {  	s2 =	simm.s32 @!p3 $0x0;
	[sflag:s31] =	ssyncset.done $0x0  }
0x128: {  	s3 =	simm.s32 @!p3 $0x13880;
	s4 =	rddreg [dreg:$0x13];
	[sflag:s31] =	ssyncadd.s32 $0xFFFFC000  }
0x129: {  	[tilespmem:s3], [sflag:$0x7] =	stream.linear.gather @!p3 [hbm4b:s4+s2], $0x80, $0x38;
	[tilespmem:$0x1E300] =	vst v63  }
0x12a: {  	s4 =	simm.s32 @!p3 $0x7  }
0x12b: {  	_ =	swait.ge @!p3 [sflag:s4], $0x80  }
0x12c: {  	[sflag:s4] =	ssyncset.done @!p3 $0x0  }
0x12d: {  	s5 =	simm.s32 @!p3 $0x13980;
	s10 =	rddreg [dreg:$0x14];
	[sflag:s4] =	ssyncadd.s32 @!p3 $0xFFFFFF80  }
0x12e: {  	[tilespmem:s5], [sflag:$0x7] =	stream.linear.gather @!p3 [hbm4b:s10+s2], $0x80, $0x38;
	[tilespmem:$0x1E300] =	vst v63  }
0x12f: {  	_ =	swait.ge @!p3 [sflag:s4], $0x80  }
0x130: {  	[sflag:s4] =	ssyncset.done @!p3 $0x0  }
0x131: {  	s2 =	simm.s32 @!p3 $0x80;
	[sflag:s4] =	ssyncadd.s32 @!p3 $0xFFFFFF80;
	s4 =	simm.s32 @!p3 $0x13B80  }
0x132: {  	[tilespmem:s4], [sflag:$0x1] =	stream.indirect.gather @!p3 [hbm4b:s16+s2], $0x80, s3, s2, $0xb8;
	[tilespmem:$0x1E300] =	vst v63  }
0x133: {  	v0 =	vld @!p3 [tilespmem:$0x13980]  }
0x134: {  	v1 =	vld @!p3 [tilespmem:$0x13990]  }
0x135: {  	v2 =	vld @!p3 [tilespmem:$0x139A0]  }
0x136: {  	v3 =	vld @!p3 [tilespmem:$0x139B0]  }
0x137: {  	v4 =	vld @!p3 [tilespmem:$0x139C0]  }
0x138: {  	[tilespmem:$0x13A80] =	vst @!p3 v0;
	v0 =	vld @!p3 [tilespmem:$0x139D0]  }
0x139: {  	[tilespmem:$0x13A90] =	vst @!p3 v1;
	v1 =	vld @!p3 [tilespmem:$0x139E0]  }
0x13a: {  	[tilespmem:$0x13AA0] =	vst @!p3 v2;
	v2 =	vld @!p3 [tilespmem:$0x139F0]  }
0x13b: {  	[tilespmem:$0x13AB0] =	vst @!p3 v3  }
0x13c: {  	[tilespmem:$0x13AC0] =	vst @!p3 v4  }
0x13d: {  	[tilespmem:$0x13AD0] =	vst @!p3 v0  }
0x13e: {  	[tilespmem:$0x13AE0] =	vst @!p3 v1  }
0x13f: {  	s3 =	simm.s32 @!p3 $0x1;
	[tilespmem:$0x13AF0] =	vst @!p3 v2  }
0x140: {  	_ =	swait.ge @!p3 [sflag:s3], $0x4000  }
0x141: {  	[sflag:s3] =	ssyncset.done @!p3 $0x0  }
0x142: {  	[sflag:s3] =	ssyncadd.s32 @!p3 $0xFFFFC000;
	s3 =	simm.s32 @!p3 $0x13A80  }
0x143: {  	[spmem:s17] =	stream.indirect.scatter.add.f32 @!p3 [tilespmem:s4], [sflag:$0x5], $0x80, s3, s2, $0xb8;
	[tilespmem:$0x1E300] =	vst v63  }
0x144: {  	s2 =	simm.s32 @!p3 $0x5  }
0x145: {  	_ =	swait.ge @!p3 [sflag:s2], $0x4000  }
0x146: {  	[sflag:s2] =	ssyncset.done @!p3 $0x0  }
0x147: {  	[sflag:s2] =	ssyncadd.s32 @!p3 $0xFFFFC000  }
0x148: {  	[bflag:$0x0] =	sbarrier.arrive $0xFFFF  }
0x149: {  	[tilespmem:s8], [sflag:$0x7] =	stream.linear.gather [spmem:s24], $0x4000, $0x38;
	[tilespmem:$0x1E300] =	vst v63  }
0x14a: {  	_ =	swait.ge [sflag:s9], $0x4000  }
0x14b: {  	[sflag:s9] =	ssyncset.done $0x0  }
0x14c: {  	s5 =	rddreg [dreg:$0x9];
	[sflag:s9] =	ssyncadd.s32 $0xFFFFC000  }
0x14d: {  	[hbm4b:s5+s1] =	stream.linear.scatter [tilespmem:s8], [sflag:$0x7], $0x4000, $0x38;
	[tilespmem:$0x1E300] =	vst v63  }
0x14e: {  	_ =	swait.ge [sflag:s9], $0x4000  }
0x14f: {  	[sflag:s9] =	ssyncset.done $0x0  }
0x150: {  	s10 =	rddreg [dreg:$0x1b];
	[sflag:s9] =	ssyncadd.s32 $0xFFFFC000  }
0x151: {  	[tilespmem:s8], [sflag:$0x7] =	stream.linear.gather [spmem:s10], $0x4000, $0x38;
	[tilespmem:$0x1E300] =	vst v63  }
0x152: {  	_ =	swait.ge [sflag:s9], $0x4000  }
0x153: {  	[sflag:s9] =	ssyncset.done $0x0  }
0x154: {  	s3 =	rddreg [dreg:$0xa];
	[sflag:s9] =	ssyncadd.s32 $0xFFFFC000  }
0x155: {  	[hbm4b:s3+s1] =	stream.linear.scatter [tilespmem:s8], [sflag:$0x7], $0x4000, $0x38;
	[tilespmem:$0x1E300] =	vst v63  }
0x156: {  	_ =	swait.ge [sflag:s9], $0x4000  }
0x157: {  	[sflag:s9] =	ssyncset.done $0x0  }
0x158: {  	s4 =	rddreg [dreg:$0x1c];
	[sflag:s9] =	ssyncadd.s32 $0xFFFFC000  }
0x159: {  	[tilespmem:s8], [sflag:$0x7] =	stream.linear.gather [spmem:s4], $0x4000, $0x38;
	[tilespmem:$0x1E300] =	vst v63  }
0x15a: {  	_ =	swait.ge [sflag:s9], $0x4000  }
0x15b: {  	[sflag:s9] =	ssyncset.done $0x0  }
0x15c: {  	s5 =	rddreg [dreg:$0xb];
	[sflag:s9] =	ssyncadd.s32 $0xFFFFC000  }
0x15d: {  	[hbm4b:s5+s1] =	stream.linear.scatter [tilespmem:s8], [sflag:$0x7], $0x4000, $0x38;
	[tilespmem:$0x1E300] =	vst v63  }
0x15e: {  	_ =	swait.ge [sflag:s9], $0x4000  }
0x15f: {  	[sflag:s9] =	ssyncset.done $0x0  }
0x160: {  	s10 =	rddreg [dreg:$0x1d];
	[sflag:s9] =	ssyncadd.s32 $0xFFFFC000  }
0x161: {  	[tilespmem:s8], [sflag:$0x7] =	stream.linear.gather [spmem:s10], $0x4000, $0x38;
	[tilespmem:$0x1E300] =	vst v63  }
0x162: {  	_ =	swait.ge [sflag:s9], $0x4000  }
0x163: {  	[sflag:s9] =	ssyncset.done $0x0  }
0x164: {  	s3 =	rddreg [dreg:$0xc];
	[sflag:s9] =	ssyncadd.s32 $0xFFFFC000  }
0x165: {  	[hbm4b:s3+s1] =	stream.linear.scatter [tilespmem:s8], [sflag:$0x7], $0x4000, $0x38;
	[tilespmem:$0x1E300] =	vst v63  }
0x166: {  	_ =	swait.ge [sflag:s9], $0x4000  }
0x167: {  	[sflag:s9] =	ssyncset.done $0x0  }
0x168: {  	s2 =	simm.s32 @!p0 $0x13B80;
	s3 =	rddreg [dreg:$0x17];
	[sflag:s9] =	ssyncadd.s32 $0xFFFFC000  }
0x169: {  	[tilespmem:s2], [sflag:$0x7] =	stream.linear.gather @!p0 [spmem:s3], $0x4000, $0x38;
	[tilespmem:$0x1E300] =	vst v63  }
0x16a: {  	s3 =	simm.s32 @!p0 $0x7  }
0x16b: {  	_ =	swait.ge @!p0 [sflag:s3], $0x4000  }
0x16c: {  	[sflag:s3] =	ssyncset.done @!p0 $0x0  }
0x16d: {  	s4 =	simm.s32 @!p0 $0x0;
	s5 =	rddreg [dreg:$0x8];
	[sflag:s3] =	ssyncadd.s32 @!p0 $0xFFFFC000  }
0x16e: {  	[hbm4b:s5+s4] =	stream.linear.scatter @!p0 [tilespmem:s2], [sflag:$0x7], $0x4000, $0x38;
	[tilespmem:$0x1E300] =	vst v63  }
0x16f: {  	_ =	swait.ge @!p0 [sflag:s3], $0x4000  }
0x170: {  	[sflag:s3] =	ssyncset.done @!p0 $0x0  }
0x171: {  	s2 =	simm.s32 @p4 $0x13B80;
	[sflag:s3] =	ssyncadd.s32 @!p0 $0xFFFFC000;
	s3 =	simm.s32 @p4 $0x7  }
0x172: {  	[tilespmem:s2], [sflag:$0x7] =	stream.linear.gather @p4 [spmem:s0], $0x800, $0x38;
	[tilespmem:$0x1E300] =	vst v63  }
0x173: {  	_ =	swait.ge @p4 [sflag:s3], $0x800  }
0x174: {  	[sflag:s3] =	ssyncset.done @p4 $0x0  }
0x175: {  	s4 =	simm.s32 @p4 $0x0;
	s5 =	rddreg [dreg:$0x18];
	[sflag:s3] =	ssyncadd.s32 @p4 $0xFFFFF800  }
0x176: {  	[hbm4b:s5+s4] =	stream.linear.scatter @p4 [tilespmem:s2], [sflag:$0x7], $0x800, $0x38;
	[tilespmem:$0x1E300] =	vst v63  }
0x177: {  	_ =	swait.ge @p4 [sflag:s3], $0x800  }
0x178: {  	s5 =	simm.s32 $0x400;
	[sflag:s3] =	ssyncset.done @p4 $0x0  }
0x179: {  	s4 =	rddreg [dreg:$0x19];
	[sflag:s3] =	ssyncadd.s32 @p4 $0xFFFFF800;
	s3 =	simm.s32 $0x1BB80  }
0x17a: {  	[hbm4b:s4+s13] =	stream.strided.scatter [tilespmem:s3], [sflag:$0x7], $0x2780, s5, s13, $0x38;
	[tilespmem:$0x1E300] =	vst v63  }
0x17b: {  	_ =	swait.ge [sflag:s9], $0x2780  }
0x17c: {  	s15 =	sadd.s32 $0x1, s15;
	s10 =	rddreg [dreg:$0x1a]  }
0x17d: {  	p4 =	sne.s32 s15, s10  }
.Ltmp1:
0x17e: {  	_ = 	snop;
	(pc) =	sbr.rel @p4 .LBB2_1-.Ltmp1, $3  }
0x17f: {  	_ =	sdelay $0x1  }
0x180: {  	[sflag:s9] =	ssyncset.done $0x0  }
0x181: {  	[sflag:s9] =	ssyncadd.s32 $0xFFFFD880  }
0x182: {  	_ =	sfence.sel $0x180000  }
0x183: {  	[bflag:$0x0] =	sbarrier.arrive $0xFFFF  }
0x184: {  	_ =	strace $0x90000047  }
0x185: {  	s0 =	stileid.u32;
	[bflag:$0x2] =	sbarrier.arrive $0xFFFF  }
0x186: {  	p0 =	sne.s32 s0, $0x0;
	s0 =	rddreg [dreg:$0x5]  }
0x187: {  	s0 =	sadd.s32 @!p0 $0x100000, s0  }
0x188: {  	[sflag:s0] =	ssyncadd.tile.s32 @!p0 $0x1;
	_ =	shalt  }
.Lfunc_end2:
_tile_overlayer_lowered:
.L_overlay_start_2:
0x189: {  	(tag) =	ssettag $0x2  }
0x18a: {  	s0 =	rddreg [dreg:$0x0];
	s2 =	stileid.u32  }
0x18b: {  	s1 =	rddreg [dreg:$0x1];
	p0 =	sne.s32 s2, $0x0  }
0x18c: {  	s3 =	rddreg [dreg:$0x2];
	[bflag:$0x3] =	sbarrier.arrive $0xFFFF;
	s2 =	simm.s32 @!p0 $0x1C07  }
0x18d: {  	[timem:s3], [sflag:s2] =	dma.local @!p0 [hbm:s0], s1  }
0x18e: {  	s0 =	simm.s32 @!p0 $0x7  }
0x18f: {  	_ =	swait.ge @!p0 [sflag:s0], s1  }
0x190: {  	s1 =	ssub.s32 @!p0 $0x0, s1;
	[sflag:s0] =	ssyncset.done @!p0 $0x0  }
0x191: {  	[sflag:s0] =	ssyncadd.s32 @!p0 s1  }
0x192: {  	[bflag:$0x3] =	sbarrier.arrive $0xFFFF  }
0x193: {  	_ =	shalt  }

</sc_bundles>
